<compile_context>
chip_gen: v7x
topology: tpu7x:2x2x1
jax: 0.10.2.dev20260603
libtpu: 0.0.44.dev20260713+nightly
codegen_flags: <defaults>
</compile_context>

<pallas_src>
import jax
import jax.numpy as jnp
from jax import lax
from jax.experimental import pallas as pl
from jax.experimental.pallas import tpu as pltpu
from jax.experimental.pallas import tpu_sc as plsc

B, N, F = 16, 200, 32
NN = N * N
L = 16
PAIR_V = 25


def _tuples_body(x_hbm, out_hbm, xb, pbuf, sems):
  wid = lax.axis_index("s") * 2 + lax.axis_index("c")
  b = wid // 2
  sub = wid % 2

  pltpu.sync_copy(x_hbm.at[pl.ds(b, 1)], xb)

  lanes = lax.iota(jnp.int32, L)
  lo8 = lanes < 8

  def fill_step_plane(c, s):
    cvec = jnp.full((L,), c, jnp.int32)
    zvec = jnp.zeros((L,), jnp.int32)

    def pair(p, carry):
      base = p * 400
      v0 = plsc.load_gather(xb, [zvec, jnp.full((L,), 2 * p, jnp.int32), cvec])
      v1 = plsc.load_gather(
          xb, [zvec, jnp.full((L,), 2 * p + 1, jnp.int32), cvec]
      )
      vm = jnp.where(lo8, v0, v1)
      for u in range(12):
        pbuf[s, 0, pl.ds(base + u * L, L)] = v0
      pbuf[s, 0, pl.ds(base + 192, L)] = vm
      for u in range(12):
        pbuf[s, 0, pl.ds(base + 208 + u * L, L)] = v1
      return carry

    lax.fori_loop(0, N // 2, pair, 0)

  def fill_tiled_plane(c, s):
    cvec = jnp.full((L,), c - F, jnp.int32)
    zvec = jnp.zeros((L,), jnp.int32)
    pat = []
    for k in range(PAIR_V):
      rvec = lanes + (k * L) % N
      rvec = jnp.where(rvec >= N, rvec - N, rvec)
      pat.append(plsc.load_gather(xb, [zvec, rvec, cvec]))

    def rep(p, carry):
      base = p * 400
      for u in range(PAIR_V):
        pbuf[s, 0, pl.ds(base + u * L, L)] = pat[u]
      return carry

    lax.fori_loop(0, N // 2, rep, 0)

  def plane_pair(m, carry):
    c_step = sub * 16 + m
    c_tile = F + sub * 16 + m

    @pl.when(m >= 1)
    def _():
      pltpu.make_async_copy(
          pbuf.at[pl.ds(0, 1)],
          out_hbm.at[pl.ds(b, 1), pl.ds(c_step, 1)],
          sems.at[0],
      ).wait()

    fill_step_plane(c_step, 0)
    pltpu.async_copy(
        pbuf.at[pl.ds(0, 1)],
        out_hbm.at[pl.ds(b, 1), pl.ds(c_step, 1)],
        sems.at[0],
    )

    @pl.when(m >= 1)
    def _():
      pltpu.make_async_copy(
          pbuf.at[pl.ds(1, 1)],
          out_hbm.at[pl.ds(b, 1), pl.ds(c_tile, 1)],
          sems.at[1],
      ).wait()

    fill_tiled_plane(c_tile, 1)
    pltpu.async_copy(
        pbuf.at[pl.ds(1, 1)],
        out_hbm.at[pl.ds(b, 1), pl.ds(c_tile, 1)],
        sems.at[1],
    )
    return carry

  lax.fori_loop(0, 16, plane_pair, 0)

  for k in range(2):
    pltpu.make_async_copy(
        pbuf.at[pl.ds(k, 1)],
        out_hbm.at[pl.ds(b, 1), pl.ds(0, 1)],
        sems.at[k],
    ).wait()


_tuples_sc = pl.kernel(
    _tuples_body,
    out_type=jax.ShapeDtypeStruct((B, 2 * F, NN), jnp.float32),
    mesh=plsc.VectorSubcoreMesh(
        core_axis_name="c", subcore_axis_name="s", num_cores=2, num_subcores=16
    ),
    compiler_params=pltpu.CompilerParams(needs_layout_passes=False),
    scratch_types=[
        pltpu.VMEM((1, N, F), jnp.float32),
        pltpu.VMEM((2, 1, NN), jnp.float32),
        pltpu.SemaphoreType.DMA((2,)),
    ],
)


@jax.jit
def kernel(x):
  return _tuples_sc(x).transpose(0, 2, 1)

# --- scband reference (transcript-rebuilt; emitter-appended) ---
"""Pipeline reference for scband-tuples-3599182594783 (READ-ONLY COPY).

The authoritative reference and input builder live on the scoring server;
editing this copy changes nothing except your own understanding.
"""

import jax, jax.numpy as jnp
import numpy as np

TUPLE_DIM = 2


def create_indices(n, k):
    # All integer k-tuples in a k-dim hypercube of edge n, row-major order
    # (matches the recursive create_indices of the original Keras layer).
    grids = jnp.meshgrid(*([jnp.arange(n)] * k), indexing='ij')
    return jnp.stack([g.reshape(-1) for g in grids], axis=-1)  # (n**k, k)


def setup_inputs(seed: int = 0) -> dict:
    key = jax.random.key(seed)
    x = jax.random.normal(key, (16, 200, 32), dtype=jnp.float32)
    return {"x": x}


def reference(x):
    b, n, f = x.shape
    idx = create_indices(n, TUPLE_DIM)  # (n**k, k) int32
    # For each batch element z (n, f): gather rows for each k-tuple -> (n**k, k, f),
    # then flatten each tuple's rows into one row -> (n**k, k*f).
    gathered = x[:, idx, :]  # (b, n**k, k, f)
    out = gathered.reshape(b, n ** TUPLE_DIM, TUPLE_DIM * f)
    return out

if __name__ == "__main__":
    import jax
    _d = setup_inputs()
    print(jax.jit(kernel)(*tuple(_d.values())))

</pallas_src>

<mosaic_0001>
#map = affine_map<(d0, d1) -> (0, 0, 0)>
module attributes {stable_mosaic.version = 14 : i64} {
  func.func @_tuples_body(%arg0: i32, %arg1: i32, %arg2: memref<16x200x32xf32, #tpu.memory_space<hbm>>, %arg3: memref<16x64x40000xf32, #tpu.memory_space<hbm>>, %arg4: memref<1x200x32xf32, #tpu.memory_space<vmem>>, %arg5: memref<2x1x40000xf32, #tpu.memory_space<vmem>>, %arg6: memref<2x!tpu.dma_semaphore, #tpu.memory_space<semaphore_mem>>) attributes {dimension_semantics = [#tpu.dimension_semantics<core_parallel>, #tpu.dimension_semantics<subcore_parallel>], iteration_bounds = array<i64: 2, 16>, scalar_prefetch = 0 : i64, scratch_operands = 3 : i64, tpu.core_type = #tpu.core_type<sc_vector_subcore>, window_params = [{transform_indices = #map}, {transform_indices = #map}]} {
    %mul3A = arith.constant 2 : i32
    %mul3A_0 = arith.muli %arg1, %mul3A : i32
    %add3A = arith.addi %mul3A_0, %arg0 : i32
    %jit3A = arith.constant 2 : i32
    %div3A = arith.divsi %add3A, %jit3A : i32
    %sign3A = arith.constant 0 : i32
    %sign3A_1 = arith.cmpi sgt, %add3A, %sign3A : i32
    %sign3A_2 = arith.extui %sign3A_1 : i1 to i32
    %sign3A_3 = arith.constant 0 : i32
    %sign3A_4 = arith.cmpi slt, %add3A, %sign3A_3 : i32
    %sign3A_5 = arith.extui %sign3A_4 : i1 to i32
    %sign3A_6 = arith.subi %sign3A_2, %sign3A_5 : i32
    %sign3A_7 = arith.constant 0 : i32
    %sign3A_8 = arith.cmpi sgt, %jit3A, %sign3A_7 : i32
    %sign3A_9 = arith.extui %sign3A_8 : i1 to i32
    %sign3A_10 = arith.constant 0 : i32
    %sign3A_11 = arith.cmpi slt, %jit3A, %sign3A_10 : i32
    %sign3A_12 = arith.extui %sign3A_11 : i1 to i32
    %sign3A_13 = arith.subi %sign3A_9, %sign3A_12 : i32
    %ne3A = arith.cmpi ne, %sign3A_6, %sign3A_13 : i32
    %rem3A = arith.remsi %add3A, %jit3A : i32
    %ne3A_14 = arith.constant 0 : i32
    %ne3A_15 = arith.cmpi ne, %rem3A, %ne3A_14 : i32
    %and3A = arith.andi %ne3A, %ne3A_15 : i1
    %sub3A = arith.constant 1 : i32
    %sub3A_16 = arith.subi %div3A, %sub3A : i32
    %select_n3A = arith.select %and3A, %sub3A_16, %div3A : i32
    %jit3A_17 = arith.constant 2 : i32
    %eq3A = arith.constant 0 : i32
    %eq3A_18 = arith.cmpi eq, %jit3A_17, %eq3A : i32
    %jit3A_19 = arith.constant 1 : i32
    %select_n3A_20 = arith.select %eq3A_18, %jit3A_19, %jit3A_17 : i32
    %rem3A_21 = arith.remsi %add3A, %select_n3A_20 : i32
    %ne3A_22 = arith.constant 0 : i32
    %ne3A_23 = arith.cmpi ne, %rem3A_21, %ne3A_22 : i32
    %lt3A = arith.constant 0 : i32
    %lt3A_24 = arith.cmpi slt, %rem3A_21, %lt3A : i32
    %lt3A_25 = arith.constant 0 : i32
    %lt3A_26 = arith.cmpi slt, %select_n3A_20, %lt3A_25 : i32
    %ne3A_27 = arith.xori %lt3A_24, %lt3A_26 : i1
    %and3A_28 = arith.andi %ne3A_27, %ne3A_23 : i1
    %add3A_29 = arith.addi %rem3A_21, %select_n3A_20 : i32
    %select_n3A_30 = arith.select %and3A_28, %add3A_29, %rem3A_21 : i32
    "tpu.region"() ({
      %run_scoped3A = tpu.sem_alloc : memref<!tpu.dma_semaphore, #tpu.memory_space<semaphore_mem>>
      %dma_start3A = arith.constant 0 : i32
      %dma_start3A_72 = arith.constant 0 : i32
      %dma_start3A_73 = tpu.memref_slice %arg2[%select_n3A, %dma_start3A, %dma_start3A_72] : memref<16x200x32xf32, #tpu.memory_space<hbm>> -> memref<1x200x32xf32, #tpu.memory_space<hbm>>
      %dma_start3A_74 = arith.constant 0 : i32
      %dma_start3A_75 = arith.constant 0 : i32
      %dma_start3A_76 = tpu.memref_slice %arg2[%select_n3A, %dma_start3A_74, %dma_start3A_75] : memref<16x200x32xf32, #tpu.memory_space<hbm>> -> memref<1x200x32xf32, #tpu.memory_space<hbm>>
      tpu.enqueue_dma source(%dma_start3A_76 : memref<1x200x32xf32, #tpu.memory_space<hbm>>) target(%arg4 : memref<1x200x32xf32, #tpu.memory_space<vmem>>) target_semaphore(%run_scoped3A : memref<!tpu.dma_semaphore, #tpu.memory_space<semaphore_mem>>)
      %dma_wait3A_77 = arith.constant 0 : i32
      %dma_wait3A_78 = arith.constant 0 : i32
      %dma_wait3A_79 = tpu.memref_slice %arg2[%select_n3A, %dma_wait3A_77, %dma_wait3A_78] : memref<16x200x32xf32, #tpu.memory_space<hbm>> -> memref<1x200x32xf32, #tpu.memory_space<hbm>>
      %dma_wait3A_80 = arith.constant 0 : i32
      %dma_wait3A_81 = arith.constant 0 : i32
      %dma_wait3A_82 = tpu.memref_slice %arg2[%select_n3A, %dma_wait3A_80, %dma_wait3A_81] : memref<16x200x32xf32, #tpu.memory_space<hbm>> -> memref<1x200x32xf32, #tpu.memory_space<hbm>>
      tpu.wait_dma2 semaphore(%run_scoped3A : memref<!tpu.dma_semaphore, #tpu.memory_space<semaphore_mem>>) src(%dma_wait3A_82 : memref<1x200x32xf32, #tpu.memory_space<hbm>>) dst(%arg4 : memref<1x200x32xf32, #tpu.memory_space<vmem>>)
      tpu.yield
    }) : () -> ()
    %iota3A = tpu.iota {dimensions = array<i32: 0>} : vector<16xi32>
    %lt3A_31 = arith.constant 8 : i32
    %lt3A_32 = vector.broadcast %lt3A_31 : i32 to vector<16xi32>
    %lt3A_33 = arith.cmpi slt, %iota3A, %lt3A_32 : vector<16xi32>
    %scan3A = arith.constant 0 : i32
    %scan3A_34 = arith.constant 0 : i32
    %scan3A_35 = arith.constant 16 : i32
    %scan3A_36 = arith.addi %scan3A_34, %scan3A_35 : i32
    %scan3A_37 = arith.constant 1 : i32
    scf.for %scan3A_72 = %scan3A_34 to %scan3A_36 step %scan3A_37  : i32 {
      %mul3A_73 = arith.constant 16 : i32
      %mul3A_74 = arith.muli %select_n3A_30, %mul3A_73 : i32
      %add3A_75 = arith.addi %mul3A_74, %scan3A_72 : i32
      %mul3A_76 = arith.constant 16 : i32
      %mul3A_77 = arith.muli %select_n3A_30, %mul3A_76 : i32
      %add3A_78 = arith.constant 32 : i32
      %add3A_79 = arith.addi %add3A_78, %mul3A_77 : i32
      %add3A_80 = arith.addi %add3A_79, %scan3A_72 : i32
      %ge3A = arith.constant 1 : i32
      %ge3A_81 = arith.cmpi sge, %scan3A_72, %ge3A : i32
      %convert_element_type3A = arith.extui %ge3A_81 : i1 to i32
      %cond3A = arith.constant 0 : i32
      %cond3A_82 = arith.cmpi ne, %convert_element_type3A, %cond3A : i32
      scf.if %cond3A_82 {
        %dma_wait3A_410 = arith.constant 0 : i32
        %dma_wait3A_411 = arith.constant 0 : i32
        %dma_wait3A_412 = arith.constant 0 : i32
        %dma_wait3A_413 = arith.constant 0 : i32
        %dma_wait3A_414 = tpu.memref_slice %arg5[%dma_wait3A_411, %dma_wait3A_412, %dma_wait3A_413] : memref<2x1x40000xf32, #tpu.memory_space<vmem>> -> memref<1x1x40000xf32, #tpu.memory_space<vmem>>
        %dma_wait3A_415 = arith.constant 0 : i32
        %dma_wait3A_416 = tpu.memref_slice %arg3[%select_n3A, %add3A_75, %dma_wait3A_415] : memref<16x64x40000xf32, #tpu.memory_space<hbm>> -> memref<1x1x40000xf32, #tpu.memory_space<hbm>>
        %dma_wait3A_417 = tpu.memref_slice %arg6[%dma_wait3A_410] : memref<2x!tpu.dma_semaphore, #tpu.memory_space<semaphore_mem>> -> memref<1x!tpu.dma_semaphore, #tpu.memory_space<semaphore_mem>>
        %dma_wait3A_418 = tpu.memref_squeeze %dma_wait3A_417 : memref<1x!tpu.dma_semaphore, #tpu.memory_space<semaphore_mem>> -> memref<!tpu.dma_semaphore, #tpu.memory_space<semaphore_mem>>
        %dma_wait3A_419 = arith.constant 0 : i32
        %dma_wait3A_420 = tpu.memref_slice %arg3[%select_n3A, %add3A_75, %dma_wait3A_419] : memref<16x64x40000xf32, #tpu.memory_space<hbm>> -> memref<1x1x40000xf32, #tpu.memory_space<hbm>>
        %dma_wait3A_421 = arith.constant 0 : i32
        %dma_wait3A_422 = arith.constant 0 : i32
        %dma_wait3A_423 = arith.constant 0 : i32
        %dma_wait3A_424 = tpu.memref_slice %arg5[%dma_wait3A_421, %dma_wait3A_422, %dma_wait3A_423] : memref<2x1x40000xf32, #tpu.memory_space<vmem>> -> memref<1x1x40000xf32, #tpu.memory_space<vmem>>
        tpu.wait_dma2 semaphore(%dma_wait3A_418 : memref<!tpu.dma_semaphore, #tpu.memory_space<semaphore_mem>>) src(%dma_wait3A_424 : memref<1x1x40000xf32, #tpu.memory_space<vmem>>) dst(%dma_wait3A_420 : memref<1x1x40000xf32, #tpu.memory_space<hbm>>)
      } else {
      }
      %broadcast_in_dim3A = vector.broadcast %add3A_75 : i32 to vector<16xi32>
      %broadcast_in_dim3A_83 = arith.constant 0 : i32
      %broadcast_in_dim3A_84 = vector.broadcast %broadcast_in_dim3A_83 : i32 to vector<16xi32>
      %scan3A_85 = arith.constant 0 : i32
      %scan3A_86 = arith.constant 0 : i32
      %scan3A_87 = arith.constant 100 : i32
      %scan3A_88 = arith.addi %scan3A_86, %scan3A_87 : i32
      %scan3A_89 = arith.constant 1 : i32
      scf.for %scan3A_410 = %scan3A_86 to %scan3A_88 step %scan3A_89  : i32 {
        %mul3A_411 = arith.constant 400 : i32
        %mul3A_412 = arith.muli %scan3A_410, %mul3A_411 : i32
        %mul3A_413 = arith.constant 2 : i32
        %mul3A_414 = arith.muli %mul3A_413, %scan3A_410 : i32
        %broadcast_in_dim3A_415 = vector.broadcast %mul3A_414 : i32 to vector<16xi32>
        %gather3A_416 = tpu.vector_load_idx %arg4[%broadcast_in_dim3A_84, %broadcast_in_dim3A_415, %broadcast_in_dim3A] : memref<1x200x32xf32, #tpu.memory_space<vmem>>[vector<16xi32>, vector<16xi32>, vector<16xi32>], vector<16xf32>,
        %mul3A_417 = arith.constant 2 : i32
        %mul3A_418 = arith.muli %mul3A_417, %scan3A_410 : i32
        %add3A_419 = arith.constant 1 : i32
        %add3A_420 = arith.addi %mul3A_418, %add3A_419 : i32
        %broadcast_in_dim3A_421 = vector.broadcast %add3A_420 : i32 to vector<16xi32>
        %gather3A_422 = tpu.vector_load_idx %arg4[%broadcast_in_dim3A_84, %broadcast_in_dim3A_421, %broadcast_in_dim3A] : memref<1x200x32xf32, #tpu.memory_space<vmem>>[vector<16xi32>, vector<16xi32>, vector<16xi32>], vector<16xf32>,
        %select_n3A_423 = arith.select %lt3A_33, %gather3A_416, %gather3A_422 : vector<16xi1>, vector<16xf32>
        %add3A_424 = arith.constant 0 : i32
        %add3A_425 = arith.addi %mul3A_412, %add3A_424 : i32
        %swap3A = arith.constant 0 : i32
        %swap3A_426 = arith.constant 0 : i32
        %swap3A_427 = arith.index_cast %swap3A : i32 to index
        %swap3A_428 = arith.index_cast %swap3A_426 : i32 to index
        %swap3A_429 = arith.index_cast %add3A_425 : i32 to index
        %swap3A_430 = tpu.vector_load %arg5[%swap3A_427, %swap3A_428, %swap3A_429] {strides = array<i32>} : memref<2x1x40000xf32, #tpu.memory_space<vmem>>, vector<16xf32>,
        tpu.vector_store %arg5[%swap3A_427, %swap3A_428, %swap3A_429], %gather3A_416 {strides = array<i32>} : memref<2x1x40000xf32, #tpu.memory_space<vmem>>, vector<16xf32>,
        %add3A_431 = arith.constant 16 : i32
        %add3A_432 = arith.addi %mul3A_412, %add3A_431 : i32
        %swap3A_433 = arith.constant 0 : i32
        %swap3A_434 = arith.constant 0 : i32
        %swap3A_435 = arith.index_cast %swap3A_433 : i32 to index
        %swap3A_436 = arith.index_cast %swap3A_434 : i32 to index
        %swap3A_437 = arith.index_cast %add3A_432 : i32 to index
        %swap3A_438 = tpu.vector_load %arg5[%swap3A_435, %swap3A_436, %swap3A_437] {strides = array<i32>} : memref<2x1x40000xf32, #tpu.memory_space<vmem>>, vector<16xf32>,
        tpu.vector_store %arg5[%swap3A_435, %swap3A_436, %swap3A_437], %gather3A_416 {strides = array<i32>} : memref<2x1x40000xf32, #tpu.memory_space<vmem>>, vector<16xf32>,
        %add3A_439 = arith.constant 32 : i32
        %add3A_440 = arith.addi %mul3A_412, %add3A_439 : i32
        %swap3A_441 = arith.constant 0 : i32
        %swap3A_442 = arith.constant 0 : i32
        %swap3A_443 = arith.index_cast %swap3A_441 : i32 to index
        %swap3A_444 = arith.index_cast %swap3A_442 : i32 to index
        %swap3A_445 = arith.index_cast %add3A_440 : i32 to index
        %swap3A_446 = tpu.vector_load %arg5[%swap3A_443, %swap3A_444, %swap3A_445] {strides = array<i32>} : memref<2x1x40000xf32, #tpu.memory_space<vmem>>, vector<16xf32>,
        tpu.vector_store %arg5[%swap3A_443, %swap3A_444, %swap3A_445], %gather3A_416 {strides = array<i32>} : memref<2x1x40000xf32, #tpu.memory_space<vmem>>, vector<16xf32>,
        %add3A_447 = arith.constant 48 : i32
        %add3A_448 = arith.addi %mul3A_412, %add3A_447 : i32
        %swap3A_449 = arith.constant 0 : i32
        %swap3A_450 = arith.constant 0 : i32
        %swap3A_451 = arith.index_cast %swap3A_449 : i32 to index
        %swap3A_452 = arith.index_cast %swap3A_450 : i32 to index
        %swap3A_453 = arith.index_cast %add3A_448 : i32 to index
        %swap3A_454 = tpu.vector_load %arg5[%swap3A_451, %swap3A_452, %swap3A_453] {strides = array<i32>} : memref<2x1x40000xf32, #tpu.memory_space<vmem>>, vector<16xf32>,
        tpu.vector_store %arg5[%swap3A_451, %swap3A_452, %swap3A_453], %gather3A_416 {strides = array<i32>} : memref<2x1x40000xf32, #tpu.memory_space<vmem>>, vector<16xf32>,
        %add3A_455 = arith.constant 64 : i32
        %add3A_456 = arith.addi %mul3A_412, %add3A_455 : i32
        %swap3A_457 = arith.constant 0 : i32
        %swap3A_458 = arith.constant 0 : i32
        %swap3A_459 = arith.index_cast %swap3A_457 : i32 to index
        %swap3A_460 = arith.index_cast %swap3A_458 : i32 to index
        %swap3A_461 = arith.index_cast %add3A_456 : i32 to index
        %swap3A_462 = tpu.vector_load %arg5[%swap3A_459, %swap3A_460, %swap3A_461] {strides = array<i32>} : memref<2x1x40000xf32, #tpu.memory_space<vmem>>, vector<16xf32>,
        tpu.vector_store %arg5[%swap3A_459, %swap3A_460, %swap3A_461], %gather3A_416 {strides = array<i32>} : memref<2x1x40000xf32, #tpu.memory_space<vmem>>, vector<16xf32>,
        %add3A_463 = arith.constant 80 : i32
        %add3A_464 = arith.addi %mul3A_412, %add3A_463 : i32
        %swap3A_465 = arith.constant 0 : i32
        %swap3A_466 = arith.constant 0 : i32
        %swap3A_467 = arith.index_cast %swap3A_465 : i32 to index
        %swap3A_468 = arith.index_cast %swap3A_466 : i32 to index
        %swap3A_469 = arith.index_cast %add3A_464 : i32 to index
        %swap3A_470 = tpu.vector_load %arg5[%swap3A_467, %swap3A_468, %swap3A_469] {strides = array<i32>} : memref<2x1x40000xf32, #tpu.memory_space<vmem>>, vector<16xf32>,
        tpu.vector_store %arg5[%swap3A_467, %swap3A_468, %swap3A_469], %gather3A_416 {strides = array<i32>} : memref<2x1x40000xf32, #tpu.memory_space<vmem>>, vector<16xf32>,
        %add3A_471 = arith.constant 96 : i32
        %add3A_472 = arith.addi %mul3A_412, %add3A_471 : i32
        %swap3A_473 = arith.constant 0 : i32
        %swap3A_474 = arith.constant 0 : i32
        %swap3A_475 = arith.index_cast %swap3A_473 : i32 to index
        %swap3A_476 = arith.index_cast %swap3A_474 : i32 to index
        %swap3A_477 = arith.index_cast %add3A_472 : i32 to index
        %swap3A_478 = tpu.vector_load %arg5[%swap3A_475, %swap3A_476, %swap3A_477] {strides = array<i32>} : memref<2x1x40000xf32, #tpu.memory_space<vmem>>, vector<16xf32>,
        tpu.vector_store %arg5[%swap3A_475, %swap3A_476, %swap3A_477], %gather3A_416 {strides = array<i32>} : memref<2x1x40000xf32, #tpu.memory_space<vmem>>, vector<16xf32>,
        %add3A_479 = arith.constant 112 : i32
        %add3A_480 = arith.addi %mul3A_412, %add3A_479 : i32
        %swap3A_481 = arith.constant 0 : i32
        %swap3A_482 = arith.constant 0 : i32
        %swap3A_483 = arith.index_cast %swap3A_481 : i32 to index
        %swap3A_484 = arith.index_cast %swap3A_482 : i32 to index
        %swap3A_485 = arith.index_cast %add3A_480 : i32 to index
        %swap3A_486 = tpu.vector_load %arg5[%swap3A_483, %swap3A_484, %swap3A_485] {strides = array<i32>} : memref<2x1x40000xf32, #tpu.memory_space<vmem>>, vector<16xf32>,
        tpu.vector_store %arg5[%swap3A_483, %swap3A_484, %swap3A_485], %gather3A_416 {strides = array<i32>} : memref<2x1x40000xf32, #tpu.memory_space<vmem>>, vector<16xf32>,
        %add3A_487 = arith.constant 128 : i32
        %add3A_488 = arith.addi %mul3A_412, %add3A_487 : i32
        %swap3A_489 = arith.constant 0 : i32
        %swap3A_490 = arith.constant 0 : i32
        %swap3A_491 = arith.index_cast %swap3A_489 : i32 to index
        %swap3A_492 = arith.index_cast %swap3A_490 : i32 to index
        %swap3A_493 = arith.index_cast %add3A_488 : i32 to index
        %swap3A_494 = tpu.vector_load %arg5[%swap3A_491, %swap3A_492, %swap3A_493] {strides = array<i32>} : memref<2x1x40000xf32, #tpu.memory_space<vmem>>, vector<16xf32>,
        tpu.vector_store %arg5[%swap3A_491, %swap3A_492, %swap3A_493], %gather3A_416 {strides = array<i32>} : memref<2x1x40000xf32, #tpu.memory_space<vmem>>, vector<16xf32>,
        %add3A_495 = arith.constant 144 : i32
        %add3A_496 = arith.addi %mul3A_412, %add3A_495 : i32
        %swap3A_497 = arith.constant 0 : i32
        %swap3A_498 = arith.constant 0 : i32
        %swap3A_499 = arith.index_cast %swap3A_497 : i32 to index
        %swap3A_500 = arith.index_cast %swap3A_498 : i32 to index
        %swap3A_501 = arith.index_cast %add3A_496 : i32 to index
        %swap3A_502 = tpu.vector_load %arg5[%swap3A_499, %swap3A_500, %swap3A_501] {strides = array<i32>} : memref<2x1x40000xf32, #tpu.memory_space<vmem>>, vector<16xf32>,
        tpu.vector_store %arg5[%swap3A_499, %swap3A_500, %swap3A_501], %gather3A_416 {strides = array<i32>} : memref<2x1x40000xf32, #tpu.memory_space<vmem>>, vector<16xf32>,
        %add3A_503 = arith.constant 160 : i32
        %add3A_504 = arith.addi %mul3A_412, %add3A_503 : i32
        %swap3A_505 = arith.constant 0 : i32
        %swap3A_506 = arith.constant 0 : i32
        %swap3A_507 = arith.index_cast %swap3A_505 : i32 to index
        %swap3A_508 = arith.index_cast %swap3A_506 : i32 to index
        %swap3A_509 = arith.index_cast %add3A_504 : i32 to index
        %swap3A_510 = tpu.vector_load %arg5[%swap3A_507, %swap3A_508, %swap3A_509] {strides = array<i32>} : memref<2x1x40000xf32, #tpu.memory_space<vmem>>, vector<16xf32>,
        tpu.vector_store %arg5[%swap3A_507, %swap3A_508, %swap3A_509], %gather3A_416 {strides = array<i32>} : memref<2x1x40000xf32, #tpu.memory_space<vmem>>, vector<16xf32>,
        %add3A_511 = arith.constant 176 : i32
        %add3A_512 = arith.addi %mul3A_412, %add3A_511 : i32
        %swap3A_513 = arith.constant 0 : i32
        %swap3A_514 = arith.constant 0 : i32
        %swap3A_515 = arith.index_cast %swap3A_513 : i32 to index
        %swap3A_516 = arith.index_cast %swap3A_514 : i32 to index
        %swap3A_517 = arith.index_cast %add3A_512 : i32 to index
        %swap3A_518 = tpu.vector_load %arg5[%swap3A_515, %swap3A_516, %swap3A_517] {strides = array<i32>} : memref<2x1x40000xf32, #tpu.memory_space<vmem>>, vector<16xf32>,
        tpu.vector_store %arg5[%swap3A_515, %swap3A_516, %swap3A_517], %gather3A_416 {strides = array<i32>} : memref<2x1x40000xf32, #tpu.memory_space<vmem>>, vector<16xf32>,
        %add3A_519 = arith.constant 192 : i32
        %add3A_520 = arith.addi %mul3A_412, %add3A_519 : i32
        %swap3A_521 = arith.constant 0 : i32
        %swap3A_522 = arith.constant 0 : i32
        %swap3A_523 = arith.index_cast %swap3A_521 : i32 to index
        %swap3A_524 = arith.index_cast %swap3A_522 : i32 to index
        %swap3A_525 = arith.index_cast %add3A_520 : i32 to index
        %swap3A_526 = tpu.vector_load %arg5[%swap3A_523, %swap3A_524, %swap3A_525] {strides = array<i32>} : memref<2x1x40000xf32, #tpu.memory_space<vmem>>, vector<16xf32>,
        tpu.vector_store %arg5[%swap3A_523, %swap3A_524, %swap3A_525], %select_n3A_423 {strides = array<i32>} : memref<2x1x40000xf32, #tpu.memory_space<vmem>>, vector<16xf32>,
        %add3A_527 = arith.constant 208 : i32
        %add3A_528 = arith.addi %mul3A_412, %add3A_527 : i32
        %add3A_529 = arith.constant 0 : i32
        %add3A_530 = arith.addi %add3A_528, %add3A_529 : i32
        %swap3A_531 = arith.constant 0 : i32
        %swap3A_532 = arith.constant 0 : i32
        %swap3A_533 = arith.index_cast %swap3A_531 : i32 to index
        %swap3A_534 = arith.index_cast %swap3A_532 : i32 to index
        %swap3A_535 = arith.index_cast %add3A_530 : i32 to index
        %swap3A_536 = tpu.vector_load %arg5[%swap3A_533, %swap3A_534, %swap3A_535] {strides = array<i32>} : memref<2x1x40000xf32, #tpu.memory_space<vmem>>, vector<16xf32>,
        tpu.vector_store %arg5[%swap3A_533, %swap3A_534, %swap3A_535], %gather3A_422 {strides = array<i32>} : memref<2x1x40000xf32, #tpu.memory_space<vmem>>, vector<16xf32>,
        %add3A_537 = arith.constant 208 : i32
        %add3A_538 = arith.addi %mul3A_412, %add3A_537 : i32
        %add3A_539 = arith.constant 16 : i32
        %add3A_540 = arith.addi %add3A_538, %add3A_539 : i32
        %swap3A_541 = arith.constant 0 : i32
        %swap3A_542 = arith.constant 0 : i32
        %swap3A_543 = arith.index_cast %swap3A_541 : i32 to index
        %swap3A_544 = arith.index_cast %swap3A_542 : i32 to index
        %swap3A_545 = arith.index_cast %add3A_540 : i32 to index
        %swap3A_546 = tpu.vector_load %arg5[%swap3A_543, %swap3A_544, %swap3A_545] {strides = array<i32>} : memref<2x1x40000xf32, #tpu.memory_space<vmem>>, vector<16xf32>,
        tpu.vector_store %arg5[%swap3A_543, %swap3A_544, %swap3A_545], %gather3A_422 {strides = array<i32>} : memref<2x1x40000xf32, #tpu.memory_space<vmem>>, vector<16xf32>,
        %add3A_547 = arith.constant 208 : i32
        %add3A_548 = arith.addi %mul3A_412, %add3A_547 : i32
        %add3A_549 = arith.constant 32 : i32
        %add3A_550 = arith.addi %add3A_548, %add3A_549 : i32
        %swap3A_551 = arith.constant 0 : i32
        %swap3A_552 = arith.constant 0 : i32
        %swap3A_553 = arith.index_cast %swap3A_551 : i32 to index
        %swap3A_554 = arith.index_cast %swap3A_552 : i32 to index
        %swap3A_555 = arith.index_cast %add3A_550 : i32 to index
        %swap3A_556 = tpu.vector_load %arg5[%swap3A_553, %swap3A_554, %swap3A_555] {strides = array<i32>} : memref<2x1x40000xf32, #tpu.memory_space<vmem>>, vector<16xf32>,
        tpu.vector_store %arg5[%swap3A_553, %swap3A_554, %swap3A_555], %gather3A_422 {strides = array<i32>} : memref<2x1x40000xf32, #tpu.memory_space<vmem>>, vector<16xf32>,
        %add3A_557 = arith.constant 208 : i32
        %add3A_558 = arith.addi %mul3A_412, %add3A_557 : i32
        %add3A_559 = arith.constant 48 : i32
        %add3A_560 = arith.addi %add3A_558, %add3A_559 : i32
        %swap3A_561 = arith.constant 0 : i32
        %swap3A_562 = arith.constant 0 : i32
        %swap3A_563 = arith.index_cast %swap3A_561 : i32 to index
        %swap3A_564 = arith.index_cast %swap3A_562 : i32 to index
        %swap3A_565 = arith.index_cast %add3A_560 : i32 to index
        %swap3A_566 = tpu.vector_load %arg5[%swap3A_563, %swap3A_564, %swap3A_565] {strides = array<i32>} : memref<2x1x40000xf32, #tpu.memory_space<vmem>>, vector<16xf32>,
        tpu.vector_store %arg5[%swap3A_563, %swap3A_564, %swap3A_565], %gather3A_422 {strides = array<i32>} : memref<2x1x40000xf32, #tpu.memory_space<vmem>>, vector<16xf32>,
        %add3A_567 = arith.constant 208 : i32
        %add3A_568 = arith.addi %mul3A_412, %add3A_567 : i32
        %add3A_569 = arith.constant 64 : i32
        %add3A_570 = arith.addi %add3A_568, %add3A_569 : i32
        %swap3A_571 = arith.constant 0 : i32
        %swap3A_572 = arith.constant 0 : i32
        %swap3A_573 = arith.index_cast %swap3A_571 : i32 to index
        %swap3A_574 = arith.index_cast %swap3A_572 : i32 to index
        %swap3A_575 = arith.index_cast %add3A_570 : i32 to index
        %swap3A_576 = tpu.vector_load %arg5[%swap3A_573, %swap3A_574, %swap3A_575] {strides = array<i32>} : memref<2x1x40000xf32, #tpu.memory_space<vmem>>, vector<16xf32>,
        tpu.vector_store %arg5[%swap3A_573, %swap3A_574, %swap3A_575], %gather3A_422 {strides = array<i32>} : memref<2x1x40000xf32, #tpu.memory_space<vmem>>, vector<16xf32>,
        %add3A_577 = arith.constant 208 : i32
        %add3A_578 = arith.addi %mul3A_412, %add3A_577 : i32
        %add3A_579 = arith.constant 80 : i32
        %add3A_580 = arith.addi %add3A_578, %add3A_579 : i32
        %swap3A_581 = arith.constant 0 : i32
        %swap3A_582 = arith.constant 0 : i32
        %swap3A_583 = arith.index_cast %swap3A_581 : i32 to index
        %swap3A_584 = arith.index_cast %swap3A_582 : i32 to index
        %swap3A_585 = arith.index_cast %add3A_580 : i32 to index
        %swap3A_586 = tpu.vector_load %arg5[%swap3A_583, %swap3A_584, %swap3A_585] {strides = array<i32>} : memref<2x1x40000xf32, #tpu.memory_space<vmem>>, vector<16xf32>,
        tpu.vector_store %arg5[%swap3A_583, %swap3A_584, %swap3A_585], %gather3A_422 {strides = array<i32>} : memref<2x1x40000xf32, #tpu.memory_space<vmem>>, vector<16xf32>,
        %add3A_587 = arith.constant 208 : i32
        %add3A_588 = arith.addi %mul3A_412, %add3A_587 : i32
        %add3A_589 = arith.constant 96 : i32
        %add3A_590 = arith.addi %add3A_588, %add3A_589 : i32
        %swap3A_591 = arith.constant 0 : i32
        %swap3A_592 = arith.constant 0 : i32
        %swap3A_593 = arith.index_cast %swap3A_591 : i32 to index
        %swap3A_594 = arith.index_cast %swap3A_592 : i32 to index
        %swap3A_595 = arith.index_cast %add3A_590 : i32 to index
        %swap3A_596 = tpu.vector_load %arg5[%swap3A_593, %swap3A_594, %swap3A_595] {strides = array<i32>} : memref<2x1x40000xf32, #tpu.memory_space<vmem>>, vector<16xf32>,
        tpu.vector_store %arg5[%swap3A_593, %swap3A_594, %swap3A_595], %gather3A_422 {strides = array<i32>} : memref<2x1x40000xf32, #tpu.memory_space<vmem>>, vector<16xf32>,
        %add3A_597 = arith.constant 208 : i32
        %add3A_598 = arith.addi %mul3A_412, %add3A_597 : i32
        %add3A_599 = arith.constant 112 : i32
        %add3A_600 = arith.addi %add3A_598, %add3A_599 : i32
        %swap3A_601 = arith.constant 0 : i32
        %swap3A_602 = arith.constant 0 : i32
        %swap3A_603 = arith.index_cast %swap3A_601 : i32 to index
        %swap3A_604 = arith.index_cast %swap3A_602 : i32 to index
        %swap3A_605 = arith.index_cast %add3A_600 : i32 to index
        %swap3A_606 = tpu.vector_load %arg5[%swap3A_603, %swap3A_604, %swap3A_605] {strides = array<i32>} : memref<2x1x40000xf32, #tpu.memory_space<vmem>>, vector<16xf32>,
        tpu.vector_store %arg5[%swap3A_603, %swap3A_604, %swap3A_605], %gather3A_422 {strides = array<i32>} : memref<2x1x40000xf32, #tpu.memory_space<vmem>>, vector<16xf32>,
        %add3A_607 = arith.constant 208 : i32
        %add3A_608 = arith.addi %mul3A_412, %add3A_607 : i32
        %add3A_609 = arith.constant 128 : i32
        %add3A_610 = arith.addi %add3A_608, %add3A_609 : i32
        %swap3A_611 = arith.constant 0 : i32
        %swap3A_612 = arith.constant 0 : i32
        %swap3A_613 = arith.index_cast %swap3A_611 : i32 to index
        %swap3A_614 = arith.index_cast %swap3A_612 : i32 to index
        %swap3A_615 = arith.index_cast %add3A_610 : i32 to index
        %swap3A_616 = tpu.vector_load %arg5[%swap3A_613, %swap3A_614, %swap3A_615] {strides = array<i32>} : memref<2x1x40000xf32, #tpu.memory_space<vmem>>, vector<16xf32>,
        tpu.vector_store %arg5[%swap3A_613, %swap3A_614, %swap3A_615], %gather3A_422 {strides = array<i32>} : memref<2x1x40000xf32, #tpu.memory_space<vmem>>, vector<16xf32>,
        %add3A_617 = arith.constant 208 : i32
        %add3A_618 = arith.addi %mul3A_412, %add3A_617 : i32
        %add3A_619 = arith.constant 144 : i32
        %add3A_620 = arith.addi %add3A_618, %add3A_619 : i32
        %swap3A_621 = arith.constant 0 : i32
        %swap3A_622 = arith.constant 0 : i32
        %swap3A_623 = arith.index_cast %swap3A_621 : i32 to index
        %swap3A_624 = arith.index_cast %swap3A_622 : i32 to index
        %swap3A_625 = arith.index_cast %add3A_620 : i32 to index
        %swap3A_626 = tpu.vector_load %arg5[%swap3A_623, %swap3A_624, %swap3A_625] {strides = array<i32>} : memref<2x1x40000xf32, #tpu.memory_space<vmem>>, vector<16xf32>,
        tpu.vector_store %arg5[%swap3A_623, %swap3A_624, %swap3A_625], %gather3A_422 {strides = array<i32>} : memref<2x1x40000xf32, #tpu.memory_space<vmem>>, vector<16xf32>,
        %add3A_627 = arith.constant 208 : i32
        %add3A_628 = arith.addi %mul3A_412, %add3A_627 : i32
        %add3A_629 = arith.constant 160 : i32
        %add3A_630 = arith.addi %add3A_628, %add3A_629 : i32
        %swap3A_631 = arith.constant 0 : i32
        %swap3A_632 = arith.constant 0 : i32
        %swap3A_633 = arith.index_cast %swap3A_631 : i32 to index
        %swap3A_634 = arith.index_cast %swap3A_632 : i32 to index
        %swap3A_635 = arith.index_cast %add3A_630 : i32 to index
        %swap3A_636 = tpu.vector_load %arg5[%swap3A_633, %swap3A_634, %swap3A_635] {strides = array<i32>} : memref<2x1x40000xf32, #tpu.memory_space<vmem>>, vector<16xf32>,
        tpu.vector_store %arg5[%swap3A_633, %swap3A_634, %swap3A_635], %gather3A_422 {strides = array<i32>} : memref<2x1x40000xf32, #tpu.memory_space<vmem>>, vector<16xf32>,
        %add3A_637 = arith.constant 208 : i32
        %add3A_638 = arith.addi %mul3A_412, %add3A_637 : i32
        %add3A_639 = arith.constant 176 : i32
        %add3A_640 = arith.addi %add3A_638, %add3A_639 : i32
        %swap3A_641 = arith.constant 0 : i32
        %swap3A_642 = arith.constant 0 : i32
        %swap3A_643 = arith.index_cast %swap3A_641 : i32 to index
        %swap3A_644 = arith.index_cast %swap3A_642 : i32 to index
        %swap3A_645 = arith.index_cast %add3A_640 : i32 to index
        %swap3A_646 = tpu.vector_load %arg5[%swap3A_643, %swap3A_644, %swap3A_645] {strides = array<i32>} : memref<2x1x40000xf32, #tpu.memory_space<vmem>>, vector<16xf32>,
        tpu.vector_store %arg5[%swap3A_643, %swap3A_644, %swap3A_645], %gather3A_422 {strides = array<i32>} : memref<2x1x40000xf32, #tpu.memory_space<vmem>>, vector<16xf32>,
      }
      %scan3A_90 = arith.constant 100 : i32
      %dma_start3A = arith.constant 0 : i32
      %dma_start3A_91 = arith.constant 0 : i32
      %dma_start3A_92 = arith.constant 0 : i32
      %dma_start3A_93 = arith.constant 0 : i32
      %dma_start3A_94 = tpu.memref_slice %arg5[%dma_start3A_91, %dma_start3A_92, %dma_start3A_93] : memref<2x1x40000xf32, #tpu.memory_space<vmem>> -> memref<1x1x40000xf32, #tpu.memory_space<vmem>>
      %dma_start3A_95 = arith.constant 0 : i32
      %dma_start3A_96 = tpu.memref_slice %arg3[%select_n3A, %add3A_75, %dma_start3A_95] : memref<16x64x40000xf32, #tpu.memory_space<hbm>> -> memref<1x1x40000xf32, #tpu.memory_space<hbm>>
      %dma_start3A_97 = tpu.memref_slice %arg6[%dma_start3A] : memref<2x!tpu.dma_semaphore, #tpu.memory_space<semaphore_mem>> -> memref<1x!tpu.dma_semaphore, #tpu.memory_space<semaphore_mem>>
      %dma_start3A_98 = tpu.memref_squeeze %dma_start3A_97 : memref<1x!tpu.dma_semaphore, #tpu.memory_space<semaphore_mem>> -> memref<!tpu.dma_semaphore, #tpu.memory_space<semaphore_mem>>
      %dma_start3A_99 = arith.constant 0 : i32
      %dma_start3A_100 = tpu.memref_slice %arg3[%select_n3A, %add3A_75, %dma_start3A_99] : memref<16x64x40000xf32, #tpu.memory_space<hbm>> -> memref<1x1x40000xf32, #tpu.memory_space<hbm>>
      %dma_start3A_101 = arith.constant 0 : i32
      %dma_start3A_102 = arith.constant 0 : i32
      %dma_start3A_103 = arith.constant 0 : i32
      %dma_start3A_104 = tpu.memref_slice %arg5[%dma_start3A_101, %dma_start3A_102, %dma_start3A_103] : memref<2x1x40000xf32, #tpu.memory_space<vmem>> -> memref<1x1x40000xf32, #tpu.memory_space<vmem>>
      tpu.enqueue_dma source(%dma_start3A_104 : memref<1x1x40000xf32, #tpu.memory_space<vmem>>) target(%dma_start3A_100 : memref<1x1x40000xf32, #tpu.memory_space<hbm>>) target_semaphore(%dma_start3A_98 : memref<!tpu.dma_semaphore, #tpu.memory_space<semaphore_mem>>)
      %ge3A_105 = arith.constant 1 : i32
      %ge3A_106 = arith.cmpi sge, %scan3A_72, %ge3A_105 : i32
      %convert_element_type3A_107 = arith.extui %ge3A_106 : i1 to i32
      %cond3A_108 = arith.constant 0 : i32
      %cond3A_109 = arith.cmpi ne, %convert_element_type3A_107, %cond3A_108 : i32
      scf.if %cond3A_109 {
        %dma_wait3A_410 = arith.constant 1 : i32
        %dma_wait3A_411 = arith.constant 1 : i32
        %dma_wait3A_412 = arith.constant 0 : i32
        %dma_wait3A_413 = arith.constant 0 : i32
        %dma_wait3A_414 = tpu.memref_slice %arg5[%dma_wait3A_411, %dma_wait3A_412, %dma_wait3A_413] : memref<2x1x40000xf32, #tpu.memory_space<vmem>> -> memref<1x1x40000xf32, #tpu.memory_space<vmem>>
        %dma_wait3A_415 = arith.constant 0 : i32
        %dma_wait3A_416 = tpu.memref_slice %arg3[%select_n3A, %add3A_80, %dma_wait3A_415] : memref<16x64x40000xf32, #tpu.memory_space<hbm>> -> memref<1x1x40000xf32, #tpu.memory_space<hbm>>
        %dma_wait3A_417 = tpu.memref_slice %arg6[%dma_wait3A_410] : memref<2x!tpu.dma_semaphore, #tpu.memory_space<semaphore_mem>> -> memref<1x!tpu.dma_semaphore, #tpu.memory_space<semaphore_mem>>
        %dma_wait3A_418 = tpu.memref_squeeze %dma_wait3A_417 : memref<1x!tpu.dma_semaphore, #tpu.memory_space<semaphore_mem>> -> memref<!tpu.dma_semaphore, #tpu.memory_space<semaphore_mem>>
        %dma_wait3A_419 = arith.constant 0 : i32
        %dma_wait3A_420 = tpu.memref_slice %arg3[%select_n3A, %add3A_80, %dma_wait3A_419] : memref<16x64x40000xf32, #tpu.memory_space<hbm>> -> memref<1x1x40000xf32, #tpu.memory_space<hbm>>
        %dma_wait3A_421 = arith.constant 1 : i32
        %dma_wait3A_422 = arith.constant 0 : i32
        %dma_wait3A_423 = arith.constant 0 : i32
        %dma_wait3A_424 = tpu.memref_slice %arg5[%dma_wait3A_421, %dma_wait3A_422, %dma_wait3A_423] : memref<2x1x40000xf32, #tpu.memory_space<vmem>> -> memref<1x1x40000xf32, #tpu.memory_space<vmem>>
        tpu.wait_dma2 semaphore(%dma_wait3A_418 : memref<!tpu.dma_semaphore, #tpu.memory_space<semaphore_mem>>) src(%dma_wait3A_424 : memref<1x1x40000xf32, #tpu.memory_space<vmem>>) dst(%dma_wait3A_420 : memref<1x1x40000xf32, #tpu.memory_space<hbm>>)
      } else {
      }
      %sub3A_110 = arith.constant 32 : i32
      %sub3A_111 = arith.subi %add3A_80, %sub3A_110 : i32
      %broadcast_in_dim3A_112 = vector.broadcast %sub3A_111 : i32 to vector<16xi32>
      %broadcast_in_dim3A_113 = arith.constant 0 : i32
      %broadcast_in_dim3A_114 = vector.broadcast %broadcast_in_dim3A_113 : i32 to vector<16xi32>
      %add3A_115 = arith.constant 0 : i32
      %add3A_116 = vector.broadcast %add3A_115 : i32 to vector<16xi32>
      %add3A_117 = arith.addi %iota3A, %add3A_116 : vector<16xi32>
      %ge3A_118 = arith.constant 200 : i32
      %ge3A_119 = vector.broadcast %ge3A_118 : i32 to vector<16xi32>
      %ge3A_120 = arith.cmpi sge, %add3A_117, %ge3A_119 : vector<16xi32>
      %sub3A_121 = arith.constant 200 : i32
      %sub3A_122 = vector.broadcast %sub3A_121 : i32 to vector<16xi32>
      %sub3A_123 = arith.subi %add3A_117, %sub3A_122 : vector<16xi32>
      %select_n3A_124 = arith.select %ge3A_120, %sub3A_123, %add3A_117 : vector<16xi1>, vector<16xi32>
      %gather3A = tpu.vector_load_idx %arg4[%broadcast_in_dim3A_114, %select_n3A_124, %broadcast_in_dim3A_112] : memref<1x200x32xf32, #tpu.memory_space<vmem>>[vector<16xi32>, vector<16xi32>, vector<16xi32>], vector<16xf32>,
      %add3A_125 = arith.constant 16 : i32
      %add3A_126 = vector.broadcast %add3A_125 : i32 to vector<16xi32>
      %add3A_127 = arith.addi %iota3A, %add3A_126 : vector<16xi32>
      %ge3A_128 = arith.constant 200 : i32
      %ge3A_129 = vector.broadcast %ge3A_128 : i32 to vector<16xi32>
      %ge3A_130 = arith.cmpi sge, %add3A_127, %ge3A_129 : vector<16xi32>
      %sub3A_131 = arith.constant 200 : i32
      %sub3A_132 = vector.broadcast %sub3A_131 : i32 to vector<16xi32>
      %sub3A_133 = arith.subi %add3A_127, %sub3A_132 : vector<16xi32>
      %select_n3A_134 = arith.select %ge3A_130, %sub3A_133, %add3A_127 : vector<16xi1>, vector<16xi32>
      %gather3A_135 = tpu.vector_load_idx %arg4[%broadcast_in_dim3A_114, %select_n3A_134, %broadcast_in_dim3A_112] : memref<1x200x32xf32, #tpu.memory_space<vmem>>[vector<16xi32>, vector<16xi32>, vector<16xi32>], vector<16xf32>,
      %add3A_136 = arith.constant 32 : i32
      %add3A_137 = vector.broadcast %add3A_136 : i32 to vector<16xi32>
      %add3A_138 = arith.addi %iota3A, %add3A_137 : vector<16xi32>
      %ge3A_139 = arith.constant 200 : i32
      %ge3A_140 = vector.broadcast %ge3A_139 : i32 to vector<16xi32>
      %ge3A_141 = arith.cmpi sge, %add3A_138, %ge3A_140 : vector<16xi32>
      %sub3A_142 = arith.constant 200 : i32
      %sub3A_143 = vector.broadcast %sub3A_142 : i32 to vector<16xi32>
      %sub3A_144 = arith.subi %add3A_138, %sub3A_143 : vector<16xi32>
      %select_n3A_145 = arith.select %ge3A_141, %sub3A_144, %add3A_138 : vector<16xi1>, vector<16xi32>
      %gather3A_146 = tpu.vector_load_idx %arg4[%broadcast_in_dim3A_114, %select_n3A_145, %broadcast_in_dim3A_112] : memref<1x200x32xf32, #tpu.memory_space<vmem>>[vector<16xi32>, vector<16xi32>, vector<16xi32>], vector<16xf32>,
      %add3A_147 = arith.constant 48 : i32
      %add3A_148 = vector.broadcast %add3A_147 : i32 to vector<16xi32>
      %add3A_149 = arith.addi %iota3A, %add3A_148 : vector<16xi32>
      %ge3A_150 = arith.constant 200 : i32
      %ge3A_151 = vector.broadcast %ge3A_150 : i32 to vector<16xi32>
      %ge3A_152 = arith.cmpi sge, %add3A_149, %ge3A_151 : vector<16xi32>
      %sub3A_153 = arith.constant 200 : i32
      %sub3A_154 = vector.broadcast %sub3A_153 : i32 to vector<16xi32>
      %sub3A_155 = arith.subi %add3A_149, %sub3A_154 : vector<16xi32>
      %select_n3A_156 = arith.select %ge3A_152, %sub3A_155, %add3A_149 : vector<16xi1>, vector<16xi32>
      %gather3A_157 = tpu.vector_load_idx %arg4[%broadcast_in_dim3A_114, %select_n3A_156, %broadcast_in_dim3A_112] : memref<1x200x32xf32, #tpu.memory_space<vmem>>[vector<16xi32>, vector<16xi32>, vector<16xi32>], vector<16xf32>,
      %add3A_158 = arith.constant 64 : i32
      %add3A_159 = vector.broadcast %add3A_158 : i32 to vector<16xi32>
      %add3A_160 = arith.addi %iota3A, %add3A_159 : vector<16xi32>
      %ge3A_161 = arith.constant 200 : i32
      %ge3A_162 = vector.broadcast %ge3A_161 : i32 to vector<16xi32>
      %ge3A_163 = arith.cmpi sge, %add3A_160, %ge3A_162 : vector<16xi32>
      %sub3A_164 = arith.constant 200 : i32
      %sub3A_165 = vector.broadcast %sub3A_164 : i32 to vector<16xi32>
      %sub3A_166 = arith.subi %add3A_160, %sub3A_165 : vector<16xi32>
      %select_n3A_167 = arith.select %ge3A_163, %sub3A_166, %add3A_160 : vector<16xi1>, vector<16xi32>
      %gather3A_168 = tpu.vector_load_idx %arg4[%broadcast_in_dim3A_114, %select_n3A_167, %broadcast_in_dim3A_112] : memref<1x200x32xf32, #tpu.memory_space<vmem>>[vector<16xi32>, vector<16xi32>, vector<16xi32>], vector<16xf32>,
      %add3A_169 = arith.constant 80 : i32
      %add3A_170 = vector.broadcast %add3A_169 : i32 to vector<16xi32>
      %add3A_171 = arith.addi %iota3A, %add3A_170 : vector<16xi32>
      %ge3A_172 = arith.constant 200 : i32
      %ge3A_173 = vector.broadcast %ge3A_172 : i32 to vector<16xi32>
      %ge3A_174 = arith.cmpi sge, %add3A_171, %ge3A_173 : vector<16xi32>
      %sub3A_175 = arith.constant 200 : i32
      %sub3A_176 = vector.broadcast %sub3A_175 : i32 to vector<16xi32>
      %sub3A_177 = arith.subi %add3A_171, %sub3A_176 : vector<16xi32>
      %select_n3A_178 = arith.select %ge3A_174, %sub3A_177, %add3A_171 : vector<16xi1>, vector<16xi32>
      %gather3A_179 = tpu.vector_load_idx %arg4[%broadcast_in_dim3A_114, %select_n3A_178, %broadcast_in_dim3A_112] : memref<1x200x32xf32, #tpu.memory_space<vmem>>[vector<16xi32>, vector<16xi32>, vector<16xi32>], vector<16xf32>,
      %add3A_180 = arith.constant 96 : i32
      %add3A_181 = vector.broadcast %add3A_180 : i32 to vector<16xi32>
      %add3A_182 = arith.addi %iota3A, %add3A_181 : vector<16xi32>
      %ge3A_183 = arith.constant 200 : i32
      %ge3A_184 = vector.broadcast %ge3A_183 : i32 to vector<16xi32>
      %ge3A_185 = arith.cmpi sge, %add3A_182, %ge3A_184 : vector<16xi32>
      %sub3A_186 = arith.constant 200 : i32
      %sub3A_187 = vector.broadcast %sub3A_186 : i32 to vector<16xi32>
      %sub3A_188 = arith.subi %add3A_182, %sub3A_187 : vector<16xi32>
      %select_n3A_189 = arith.select %ge3A_185, %sub3A_188, %add3A_182 : vector<16xi1>, vector<16xi32>
      %gather3A_190 = tpu.vector_load_idx %arg4[%broadcast_in_dim3A_114, %select_n3A_189, %broadcast_in_dim3A_112] : memref<1x200x32xf32, #tpu.memory_space<vmem>>[vector<16xi32>, vector<16xi32>, vector<16xi32>], vector<16xf32>,
      %add3A_191 = arith.constant 112 : i32
      %add3A_192 = vector.broadcast %add3A_191 : i32 to vector<16xi32>
      %add3A_193 = arith.addi %iota3A, %add3A_192 : vector<16xi32>
      %ge3A_194 = arith.constant 200 : i32
      %ge3A_195 = vector.broadcast %ge3A_194 : i32 to vector<16xi32>
      %ge3A_196 = arith.cmpi sge, %add3A_193, %ge3A_195 : vector<16xi32>
      %sub3A_197 = arith.constant 200 : i32
      %sub3A_198 = vector.broadcast %sub3A_197 : i32 to vector<16xi32>
      %sub3A_199 = arith.subi %add3A_193, %sub3A_198 : vector<16xi32>
      %select_n3A_200 = arith.select %ge3A_196, %sub3A_199, %add3A_193 : vector<16xi1>, vector<16xi32>
      %gather3A_201 = tpu.vector_load_idx %arg4[%broadcast_in_dim3A_114, %select_n3A_200, %broadcast_in_dim3A_112] : memref<1x200x32xf32, #tpu.memory_space<vmem>>[vector<16xi32>, vector<16xi32>, vector<16xi32>], vector<16xf32>,
      %add3A_202 = arith.constant 128 : i32
      %add3A_203 = vector.broadcast %add3A_202 : i32 to vector<16xi32>
      %add3A_204 = arith.addi %iota3A, %add3A_203 : vector<16xi32>
      %ge3A_205 = arith.constant 200 : i32
      %ge3A_206 = vector.broadcast %ge3A_205 : i32 to vector<16xi32>
      %ge3A_207 = arith.cmpi sge, %add3A_204, %ge3A_206 : vector<16xi32>
      %sub3A_208 = arith.constant 200 : i32
      %sub3A_209 = vector.broadcast %sub3A_208 : i32 to vector<16xi32>
      %sub3A_210 = arith.subi %add3A_204, %sub3A_209 : vector<16xi32>
      %select_n3A_211 = arith.select %ge3A_207, %sub3A_210, %add3A_204 : vector<16xi1>, vector<16xi32>
      %gather3A_212 = tpu.vector_load_idx %arg4[%broadcast_in_dim3A_114, %select_n3A_211, %broadcast_in_dim3A_112] : memref<1x200x32xf32, #tpu.memory_space<vmem>>[vector<16xi32>, vector<16xi32>, vector<16xi32>], vector<16xf32>,
      %add3A_213 = arith.constant 144 : i32
      %add3A_214 = vector.broadcast %add3A_213 : i32 to vector<16xi32>
      %add3A_215 = arith.addi %iota3A, %add3A_214 : vector<16xi32>
      %ge3A_216 = arith.constant 200 : i32
      %ge3A_217 = vector.broadcast %ge3A_216 : i32 to vector<16xi32>
      %ge3A_218 = arith.cmpi sge, %add3A_215, %ge3A_217 : vector<16xi32>
      %sub3A_219 = arith.constant 200 : i32
      %sub3A_220 = vector.broadcast %sub3A_219 : i32 to vector<16xi32>
      %sub3A_221 = arith.subi %add3A_215, %sub3A_220 : vector<16xi32>
      %select_n3A_222 = arith.select %ge3A_218, %sub3A_221, %add3A_215 : vector<16xi1>, vector<16xi32>
      %gather3A_223 = tpu.vector_load_idx %arg4[%broadcast_in_dim3A_114, %select_n3A_222, %broadcast_in_dim3A_112] : memref<1x200x32xf32, #tpu.memory_space<vmem>>[vector<16xi32>, vector<16xi32>, vector<16xi32>], vector<16xf32>,
      %add3A_224 = arith.constant 160 : i32
      %add3A_225 = vector.broadcast %add3A_224 : i32 to vector<16xi32>
      %add3A_226 = arith.addi %iota3A, %add3A_225 : vector<16xi32>
      %ge3A_227 = arith.constant 200 : i32
      %ge3A_228 = vector.broadcast %ge3A_227 : i32 to vector<16xi32>
      %ge3A_229 = arith.cmpi sge, %add3A_226, %ge3A_228 : vector<16xi32>
      %sub3A_230 = arith.constant 200 : i32
      %sub3A_231 = vector.broadcast %sub3A_230 : i32 to vector<16xi32>
      %sub3A_232 = arith.subi %add3A_226, %sub3A_231 : vector<16xi32>
      %select_n3A_233 = arith.select %ge3A_229, %sub3A_232, %add3A_226 : vector<16xi1>, vector<16xi32>
      %gather3A_234 = tpu.vector_load_idx %arg4[%broadcast_in_dim3A_114, %select_n3A_233, %broadcast_in_dim3A_112] : memref<1x200x32xf32, #tpu.memory_space<vmem>>[vector<16xi32>, vector<16xi32>, vector<16xi32>], vector<16xf32>,
      %add3A_235 = arith.constant 176 : i32
      %add3A_236 = vector.broadcast %add3A_235 : i32 to vector<16xi32>
      %add3A_237 = arith.addi %iota3A, %add3A_236 : vector<16xi32>
      %ge3A_238 = arith.constant 200 : i32
      %ge3A_239 = vector.broadcast %ge3A_238 : i32 to vector<16xi32>
      %ge3A_240 = arith.cmpi sge, %add3A_237, %ge3A_239 : vector<16xi32>
      %sub3A_241 = arith.constant 200 : i32
      %sub3A_242 = vector.broadcast %sub3A_241 : i32 to vector<16xi32>
      %sub3A_243 = arith.subi %add3A_237, %sub3A_242 : vector<16xi32>
      %select_n3A_244 = arith.select %ge3A_240, %sub3A_243, %add3A_237 : vector<16xi1>, vector<16xi32>
      %gather3A_245 = tpu.vector_load_idx %arg4[%broadcast_in_dim3A_114, %select_n3A_244, %broadcast_in_dim3A_112] : memref<1x200x32xf32, #tpu.memory_space<vmem>>[vector<16xi32>, vector<16xi32>, vector<16xi32>], vector<16xf32>,
      %add3A_246 = arith.constant 192 : i32
      %add3A_247 = vector.broadcast %add3A_246 : i32 to vector<16xi32>
      %add3A_248 = arith.addi %iota3A, %add3A_247 : vector<16xi32>
      %ge3A_249 = arith.constant 200 : i32
      %ge3A_250 = vector.broadcast %ge3A_249 : i32 to vector<16xi32>
      %ge3A_251 = arith.cmpi sge, %add3A_248, %ge3A_250 : vector<16xi32>
      %sub3A_252 = arith.constant 200 : i32
      %sub3A_253 = vector.broadcast %sub3A_252 : i32 to vector<16xi32>
      %sub3A_254 = arith.subi %add3A_248, %sub3A_253 : vector<16xi32>
      %select_n3A_255 = arith.select %ge3A_251, %sub3A_254, %add3A_248 : vector<16xi1>, vector<16xi32>
      %gather3A_256 = tpu.vector_load_idx %arg4[%broadcast_in_dim3A_114, %select_n3A_255, %broadcast_in_dim3A_112] : memref<1x200x32xf32, #tpu.memory_space<vmem>>[vector<16xi32>, vector<16xi32>, vector<16xi32>], vector<16xf32>,
      %add3A_257 = arith.constant 8 : i32
      %add3A_258 = vector.broadcast %add3A_257 : i32 to vector<16xi32>
      %add3A_259 = arith.addi %iota3A, %add3A_258 : vector<16xi32>
      %ge3A_260 = arith.constant 200 : i32
      %ge3A_261 = vector.broadcast %ge3A_260 : i32 to vector<16xi32>
      %ge3A_262 = arith.cmpi sge, %add3A_259, %ge3A_261 : vector<16xi32>
      %sub3A_263 = arith.constant 200 : i32
      %sub3A_264 = vector.broadcast %sub3A_263 : i32 to vector<16xi32>
      %sub3A_265 = arith.subi %add3A_259, %sub3A_264 : vector<16xi32>
      %select_n3A_266 = arith.select %ge3A_262, %sub3A_265, %add3A_259 : vector<16xi1>, vector<16xi32>
      %gather3A_267 = tpu.vector_load_idx %arg4[%broadcast_in_dim3A_114, %select_n3A_266, %broadcast_in_dim3A_112] : memref<1x200x32xf32, #tpu.memory_space<vmem>>[vector<16xi32>, vector<16xi32>, vector<16xi32>], vector<16xf32>,
      %add3A_268 = arith.constant 24 : i32
      %add3A_269 = vector.broadcast %add3A_268 : i32 to vector<16xi32>
      %add3A_270 = arith.addi %iota3A, %add3A_269 : vector<16xi32>
      %ge3A_271 = arith.constant 200 : i32
      %ge3A_272 = vector.broadcast %ge3A_271 : i32 to vector<16xi32>
      %ge3A_273 = arith.cmpi sge, %add3A_270, %ge3A_272 : vector<16xi32>
      %sub3A_274 = arith.constant 200 : i32
      %sub3A_275 = vector.broadcast %sub3A_274 : i32 to vector<16xi32>
      %sub3A_276 = arith.subi %add3A_270, %sub3A_275 : vector<16xi32>
      %select_n3A_277 = arith.select %ge3A_273, %sub3A_276, %add3A_270 : vector<16xi1>, vector<16xi32>
      %gather3A_278 = tpu.vector_load_idx %arg4[%broadcast_in_dim3A_114, %select_n3A_277, %broadcast_in_dim3A_112] : memref<1x200x32xf32, #tpu.memory_space<vmem>>[vector<16xi32>, vector<16xi32>, vector<16xi32>], vector<16xf32>,
      %add3A_279 = arith.constant 40 : i32
      %add3A_280 = vector.broadcast %add3A_279 : i32 to vector<16xi32>
      %add3A_281 = arith.addi %iota3A, %add3A_280 : vector<16xi32>
      %ge3A_282 = arith.constant 200 : i32
      %ge3A_283 = vector.broadcast %ge3A_282 : i32 to vector<16xi32>
      %ge3A_284 = arith.cmpi sge, %add3A_281, %ge3A_283 : vector<16xi32>
      %sub3A_285 = arith.constant 200 : i32
      %sub3A_286 = vector.broadcast %sub3A_285 : i32 to vector<16xi32>
      %sub3A_287 = arith.subi %add3A_281, %sub3A_286 : vector<16xi32>
      %select_n3A_288 = arith.select %ge3A_284, %sub3A_287, %add3A_281 : vector<16xi1>, vector<16xi32>
      %gather3A_289 = tpu.vector_load_idx %arg4[%broadcast_in_dim3A_114, %select_n3A_288, %broadcast_in_dim3A_112] : memref<1x200x32xf32, #tpu.memory_space<vmem>>[vector<16xi32>, vector<16xi32>, vector<16xi32>], vector<16xf32>,
      %add3A_290 = arith.constant 56 : i32
      %add3A_291 = vector.broadcast %add3A_290 : i32 to vector<16xi32>
      %add3A_292 = arith.addi %iota3A, %add3A_291 : vector<16xi32>
      %ge3A_293 = arith.constant 200 : i32
      %ge3A_294 = vector.broadcast %ge3A_293 : i32 to vector<16xi32>
      %ge3A_295 = arith.cmpi sge, %add3A_292, %ge3A_294 : vector<16xi32>
      %sub3A_296 = arith.constant 200 : i32
      %sub3A_297 = vector.broadcast %sub3A_296 : i32 to vector<16xi32>
      %sub3A_298 = arith.subi %add3A_292, %sub3A_297 : vector<16xi32>
      %select_n3A_299 = arith.select %ge3A_295, %sub3A_298, %add3A_292 : vector<16xi1>, vector<16xi32>
      %gather3A_300 = tpu.vector_load_idx %arg4[%broadcast_in_dim3A_114, %select_n3A_299, %broadcast_in_dim3A_112] : memref<1x200x32xf32, #tpu.memory_space<vmem>>[vector<16xi32>, vector<16xi32>, vector<16xi32>], vector<16xf32>,
      %add3A_301 = arith.constant 72 : i32
      %add3A_302 = vector.broadcast %add3A_301 : i32 to vector<16xi32>
      %add3A_303 = arith.addi %iota3A, %add3A_302 : vector<16xi32>
      %ge3A_304 = arith.constant 200 : i32
      %ge3A_305 = vector.broadcast %ge3A_304 : i32 to vector<16xi32>
      %ge3A_306 = arith.cmpi sge, %add3A_303, %ge3A_305 : vector<16xi32>
      %sub3A_307 = arith.constant 200 : i32
      %sub3A_308 = vector.broadcast %sub3A_307 : i32 to vector<16xi32>
      %sub3A_309 = arith.subi %add3A_303, %sub3A_308 : vector<16xi32>
      %select_n3A_310 = arith.select %ge3A_306, %sub3A_309, %add3A_303 : vector<16xi1>, vector<16xi32>
      %gather3A_311 = tpu.vector_load_idx %arg4[%broadcast_in_dim3A_114, %select_n3A_310, %broadcast_in_dim3A_112] : memref<1x200x32xf32, #tpu.memory_space<vmem>>[vector<16xi32>, vector<16xi32>, vector<16xi32>], vector<16xf32>,
      %add3A_312 = arith.constant 88 : i32
      %add3A_313 = vector.broadcast %add3A_312 : i32 to vector<16xi32>
      %add3A_314 = arith.addi %iota3A, %add3A_313 : vector<16xi32>
      %ge3A_315 = arith.constant 200 : i32
      %ge3A_316 = vector.broadcast %ge3A_315 : i32 to vector<16xi32>
      %ge3A_317 = arith.cmpi sge, %add3A_314, %ge3A_316 : vector<16xi32>
      %sub3A_318 = arith.constant 200 : i32
      %sub3A_319 = vector.broadcast %sub3A_318 : i32 to vector<16xi32>
      %sub3A_320 = arith.subi %add3A_314, %sub3A_319 : vector<16xi32>
      %select_n3A_321 = arith.select %ge3A_317, %sub3A_320, %add3A_314 : vector<16xi1>, vector<16xi32>
      %gather3A_322 = tpu.vector_load_idx %arg4[%broadcast_in_dim3A_114, %select_n3A_321, %broadcast_in_dim3A_112] : memref<1x200x32xf32, #tpu.memory_space<vmem>>[vector<16xi32>, vector<16xi32>, vector<16xi32>], vector<16xf32>,
      %add3A_323 = arith.constant 104 : i32
      %add3A_324 = vector.broadcast %add3A_323 : i32 to vector<16xi32>
      %add3A_325 = arith.addi %iota3A, %add3A_324 : vector<16xi32>
      %ge3A_326 = arith.constant 200 : i32
      %ge3A_327 = vector.broadcast %ge3A_326 : i32 to vector<16xi32>
      %ge3A_328 = arith.cmpi sge, %add3A_325, %ge3A_327 : vector<16xi32>
      %sub3A_329 = arith.constant 200 : i32
      %sub3A_330 = vector.broadcast %sub3A_329 : i32 to vector<16xi32>
      %sub3A_331 = arith.subi %add3A_325, %sub3A_330 : vector<16xi32>
      %select_n3A_332 = arith.select %ge3A_328, %sub3A_331, %add3A_325 : vector<16xi1>, vector<16xi32>
      %gather3A_333 = tpu.vector_load_idx %arg4[%broadcast_in_dim3A_114, %select_n3A_332, %broadcast_in_dim3A_112] : memref<1x200x32xf32, #tpu.memory_space<vmem>>[vector<16xi32>, vector<16xi32>, vector<16xi32>], vector<16xf32>,
      %add3A_334 = arith.constant 120 : i32
      %add3A_335 = vector.broadcast %add3A_334 : i32 to vector<16xi32>
      %add3A_336 = arith.addi %iota3A, %add3A_335 : vector<16xi32>
      %ge3A_337 = arith.constant 200 : i32
      %ge3A_338 = vector.broadcast %ge3A_337 : i32 to vector<16xi32>
      %ge3A_339 = arith.cmpi sge, %add3A_336, %ge3A_338 : vector<16xi32>
      %sub3A_340 = arith.constant 200 : i32
      %sub3A_341 = vector.broadcast %sub3A_340 : i32 to vector<16xi32>
      %sub3A_342 = arith.subi %add3A_336, %sub3A_341 : vector<16xi32>
      %select_n3A_343 = arith.select %ge3A_339, %sub3A_342, %add3A_336 : vector<16xi1>, vector<16xi32>
      %gather3A_344 = tpu.vector_load_idx %arg4[%broadcast_in_dim3A_114, %select_n3A_343, %broadcast_in_dim3A_112] : memref<1x200x32xf32, #tpu.memory_space<vmem>>[vector<16xi32>, vector<16xi32>, vector<16xi32>], vector<16xf32>,
      %add3A_345 = arith.constant 136 : i32
      %add3A_346 = vector.broadcast %add3A_345 : i32 to vector<16xi32>
      %add3A_347 = arith.addi %iota3A, %add3A_346 : vector<16xi32>
      %ge3A_348 = arith.constant 200 : i32
      %ge3A_349 = vector.broadcast %ge3A_348 : i32 to vector<16xi32>
      %ge3A_350 = arith.cmpi sge, %add3A_347, %ge3A_349 : vector<16xi32>
      %sub3A_351 = arith.constant 200 : i32
      %sub3A_352 = vector.broadcast %sub3A_351 : i32 to vector<16xi32>
      %sub3A_353 = arith.subi %add3A_347, %sub3A_352 : vector<16xi32>
      %select_n3A_354 = arith.select %ge3A_350, %sub3A_353, %add3A_347 : vector<16xi1>, vector<16xi32>
      %gather3A_355 = tpu.vector_load_idx %arg4[%broadcast_in_dim3A_114, %select_n3A_354, %broadcast_in_dim3A_112] : memref<1x200x32xf32, #tpu.memory_space<vmem>>[vector<16xi32>, vector<16xi32>, vector<16xi32>], vector<16xf32>,
      %add3A_356 = arith.constant 152 : i32
      %add3A_357 = vector.broadcast %add3A_356 : i32 to vector<16xi32>
      %add3A_358 = arith.addi %iota3A, %add3A_357 : vector<16xi32>
      %ge3A_359 = arith.constant 200 : i32
      %ge3A_360 = vector.broadcast %ge3A_359 : i32 to vector<16xi32>
      %ge3A_361 = arith.cmpi sge, %add3A_358, %ge3A_360 : vector<16xi32>
      %sub3A_362 = arith.constant 200 : i32
      %sub3A_363 = vector.broadcast %sub3A_362 : i32 to vector<16xi32>
      %sub3A_364 = arith.subi %add3A_358, %sub3A_363 : vector<16xi32>
      %select_n3A_365 = arith.select %ge3A_361, %sub3A_364, %add3A_358 : vector<16xi1>, vector<16xi32>
      %gather3A_366 = tpu.vector_load_idx %arg4[%broadcast_in_dim3A_114, %select_n3A_365, %broadcast_in_dim3A_112] : memref<1x200x32xf32, #tpu.memory_space<vmem>>[vector<16xi32>, vector<16xi32>, vector<16xi32>], vector<16xf32>,
      %add3A_367 = arith.constant 168 : i32
      %add3A_368 = vector.broadcast %add3A_367 : i32 to vector<16xi32>
      %add3A_369 = arith.addi %iota3A, %add3A_368 : vector<16xi32>
      %ge3A_370 = arith.constant 200 : i32
      %ge3A_371 = vector.broadcast %ge3A_370 : i32 to vector<16xi32>
      %ge3A_372 = arith.cmpi sge, %add3A_369, %ge3A_371 : vector<16xi32>
      %sub3A_373 = arith.constant 200 : i32
      %sub3A_374 = vector.broadcast %sub3A_373 : i32 to vector<16xi32>
      %sub3A_375 = arith.subi %add3A_369, %sub3A_374 : vector<16xi32>
      %select_n3A_376 = arith.select %ge3A_372, %sub3A_375, %add3A_369 : vector<16xi1>, vector<16xi32>
      %gather3A_377 = tpu.vector_load_idx %arg4[%broadcast_in_dim3A_114, %select_n3A_376, %broadcast_in_dim3A_112] : memref<1x200x32xf32, #tpu.memory_space<vmem>>[vector<16xi32>, vector<16xi32>, vector<16xi32>], vector<16xf32>,
      %add3A_378 = arith.constant 184 : i32
      %add3A_379 = vector.broadcast %add3A_378 : i32 to vector<16xi32>
      %add3A_380 = arith.addi %iota3A, %add3A_379 : vector<16xi32>
      %ge3A_381 = arith.constant 200 : i32
      %ge3A_382 = vector.broadcast %ge3A_381 : i32 to vector<16xi32>
      %ge3A_383 = arith.cmpi sge, %add3A_380, %ge3A_382 : vector<16xi32>
      %sub3A_384 = arith.constant 200 : i32
      %sub3A_385 = vector.broadcast %sub3A_384 : i32 to vector<16xi32>
      %sub3A_386 = arith.subi %add3A_380, %sub3A_385 : vector<16xi32>
      %select_n3A_387 = arith.select %ge3A_383, %sub3A_386, %add3A_380 : vector<16xi1>, vector<16xi32>
      %gather3A_388 = tpu.vector_load_idx %arg4[%broadcast_in_dim3A_114, %select_n3A_387, %broadcast_in_dim3A_112] : memref<1x200x32xf32, #tpu.memory_space<vmem>>[vector<16xi32>, vector<16xi32>, vector<16xi32>], vector<16xf32>,
      %scan3A_389 = arith.constant 0 : i32
      %scan3A_390 = arith.constant 0 : i32
      %scan3A_391 = arith.constant 100 : i32
      %scan3A_392 = arith.addi %scan3A_390, %scan3A_391 : i32
      %scan3A_393 = arith.constant 1 : i32
      scf.for %scan3A_410 = %scan3A_390 to %scan3A_392 step %scan3A_393  : i32 {
        %mul3A_411 = arith.constant 400 : i32
        %mul3A_412 = arith.muli %scan3A_410, %mul3A_411 : i32
        %add3A_413 = arith.constant 0 : i32
        %add3A_414 = arith.addi %mul3A_412, %add3A_413 : i32
        %swap3A = arith.constant 1 : i32
        %swap3A_415 = arith.constant 0 : i32
        %swap3A_416 = arith.index_cast %swap3A : i32 to index
        %swap3A_417 = arith.index_cast %swap3A_415 : i32 to index
        %swap3A_418 = arith.index_cast %add3A_414 : i32 to index
        %swap3A_419 = tpu.vector_load %arg5[%swap3A_416, %swap3A_417, %swap3A_418] {strides = array<i32>} : memref<2x1x40000xf32, #tpu.memory_space<vmem>>, vector<16xf32>,
        tpu.vector_store %arg5[%swap3A_416, %swap3A_417, %swap3A_418], %gather3A {strides = array<i32>} : memref<2x1x40000xf32, #tpu.memory_space<vmem>>, vector<16xf32>,
        %add3A_420 = arith.constant 16 : i32
        %add3A_421 = arith.addi %mul3A_412, %add3A_420 : i32
        %swap3A_422 = arith.constant 1 : i32
        %swap3A_423 = arith.constant 0 : i32
        %swap3A_424 = arith.index_cast %swap3A_422 : i32 to index
        %swap3A_425 = arith.index_cast %swap3A_423 : i32 to index
        %swap3A_426 = arith.index_cast %add3A_421 : i32 to index
        %swap3A_427 = tpu.vector_load %arg5[%swap3A_424, %swap3A_425, %swap3A_426] {strides = array<i32>} : memref<2x1x40000xf32, #tpu.memory_space<vmem>>, vector<16xf32>,
        tpu.vector_store %arg5[%swap3A_424, %swap3A_425, %swap3A_426], %gather3A_135 {strides = array<i32>} : memref<2x1x40000xf32, #tpu.memory_space<vmem>>, vector<16xf32>,
        %add3A_428 = arith.constant 32 : i32
        %add3A_429 = arith.addi %mul3A_412, %add3A_428 : i32
        %swap3A_430 = arith.constant 1 : i32
        %swap3A_431 = arith.constant 0 : i32
        %swap3A_432 = arith.index_cast %swap3A_430 : i32 to index
        %swap3A_433 = arith.index_cast %swap3A_431 : i32 to index
        %swap3A_434 = arith.index_cast %add3A_429 : i32 to index
        %swap3A_435 = tpu.vector_load %arg5[%swap3A_432, %swap3A_433, %swap3A_434] {strides = array<i32>} : memref<2x1x40000xf32, #tpu.memory_space<vmem>>, vector<16xf32>,
        tpu.vector_store %arg5[%swap3A_432, %swap3A_433, %swap3A_434], %gather3A_146 {strides = array<i32>} : memref<2x1x40000xf32, #tpu.memory_space<vmem>>, vector<16xf32>,
        %add3A_436 = arith.constant 48 : i32
        %add3A_437 = arith.addi %mul3A_412, %add3A_436 : i32
        %swap3A_438 = arith.constant 1 : i32
        %swap3A_439 = arith.constant 0 : i32
        %swap3A_440 = arith.index_cast %swap3A_438 : i32 to index
        %swap3A_441 = arith.index_cast %swap3A_439 : i32 to index
        %swap3A_442 = arith.index_cast %add3A_437 : i32 to index
        %swap3A_443 = tpu.vector_load %arg5[%swap3A_440, %swap3A_441, %swap3A_442] {strides = array<i32>} : memref<2x1x40000xf32, #tpu.memory_space<vmem>>, vector<16xf32>,
        tpu.vector_store %arg5[%swap3A_440, %swap3A_441, %swap3A_442], %gather3A_157 {strides = array<i32>} : memref<2x1x40000xf32, #tpu.memory_space<vmem>>, vector<16xf32>,
        %add3A_444 = arith.constant 64 : i32
        %add3A_445 = arith.addi %mul3A_412, %add3A_444 : i32
        %swap3A_446 = arith.constant 1 : i32
        %swap3A_447 = arith.constant 0 : i32
        %swap3A_448 = arith.index_cast %swap3A_446 : i32 to index
        %swap3A_449 = arith.index_cast %swap3A_447 : i32 to index
        %swap3A_450 = arith.index_cast %add3A_445 : i32 to index
        %swap3A_451 = tpu.vector_load %arg5[%swap3A_448, %swap3A_449, %swap3A_450] {strides = array<i32>} : memref<2x1x40000xf32, #tpu.memory_space<vmem>>, vector<16xf32>,
        tpu.vector_store %arg5[%swap3A_448, %swap3A_449, %swap3A_450], %gather3A_168 {strides = array<i32>} : memref<2x1x40000xf32, #tpu.memory_space<vmem>>, vector<16xf32>,
        %add3A_452 = arith.constant 80 : i32
        %add3A_453 = arith.addi %mul3A_412, %add3A_452 : i32
        %swap3A_454 = arith.constant 1 : i32
        %swap3A_455 = arith.constant 0 : i32
        %swap3A_456 = arith.index_cast %swap3A_454 : i32 to index
        %swap3A_457 = arith.index_cast %swap3A_455 : i32 to index
        %swap3A_458 = arith.index_cast %add3A_453 : i32 to index
        %swap3A_459 = tpu.vector_load %arg5[%swap3A_456, %swap3A_457, %swap3A_458] {strides = array<i32>} : memref<2x1x40000xf32, #tpu.memory_space<vmem>>, vector<16xf32>,
        tpu.vector_store %arg5[%swap3A_456, %swap3A_457, %swap3A_458], %gather3A_179 {strides = array<i32>} : memref<2x1x40000xf32, #tpu.memory_space<vmem>>, vector<16xf32>,
        %add3A_460 = arith.constant 96 : i32
        %add3A_461 = arith.addi %mul3A_412, %add3A_460 : i32
        %swap3A_462 = arith.constant 1 : i32
        %swap3A_463 = arith.constant 0 : i32
        %swap3A_464 = arith.index_cast %swap3A_462 : i32 to index
        %swap3A_465 = arith.index_cast %swap3A_463 : i32 to index
        %swap3A_466 = arith.index_cast %add3A_461 : i32 to index
        %swap3A_467 = tpu.vector_load %arg5[%swap3A_464, %swap3A_465, %swap3A_466] {strides = array<i32>} : memref<2x1x40000xf32, #tpu.memory_space<vmem>>, vector<16xf32>,
        tpu.vector_store %arg5[%swap3A_464, %swap3A_465, %swap3A_466], %gather3A_190 {strides = array<i32>} : memref<2x1x40000xf32, #tpu.memory_space<vmem>>, vector<16xf32>,
        %add3A_468 = arith.constant 112 : i32
        %add3A_469 = arith.addi %mul3A_412, %add3A_468 : i32
        %swap3A_470 = arith.constant 1 : i32
        %swap3A_471 = arith.constant 0 : i32
        %swap3A_472 = arith.index_cast %swap3A_470 : i32 to index
        %swap3A_473 = arith.index_cast %swap3A_471 : i32 to index
        %swap3A_474 = arith.index_cast %add3A_469 : i32 to index
        %swap3A_475 = tpu.vector_load %arg5[%swap3A_472, %swap3A_473, %swap3A_474] {strides = array<i32>} : memref<2x1x40000xf32, #tpu.memory_space<vmem>>, vector<16xf32>,
        tpu.vector_store %arg5[%swap3A_472, %swap3A_473, %swap3A_474], %gather3A_201 {strides = array<i32>} : memref<2x1x40000xf32, #tpu.memory_space<vmem>>, vector<16xf32>,
        %add3A_476 = arith.constant 128 : i32
        %add3A_477 = arith.addi %mul3A_412, %add3A_476 : i32
        %swap3A_478 = arith.constant 1 : i32
        %swap3A_479 = arith.constant 0 : i32
        %swap3A_480 = arith.index_cast %swap3A_478 : i32 to index
        %swap3A_481 = arith.index_cast %swap3A_479 : i32 to index
        %swap3A_482 = arith.index_cast %add3A_477 : i32 to index
        %swap3A_483 = tpu.vector_load %arg5[%swap3A_480, %swap3A_481, %swap3A_482] {strides = array<i32>} : memref<2x1x40000xf32, #tpu.memory_space<vmem>>, vector<16xf32>,
        tpu.vector_store %arg5[%swap3A_480, %swap3A_481, %swap3A_482], %gather3A_212 {strides = array<i32>} : memref<2x1x40000xf32, #tpu.memory_space<vmem>>, vector<16xf32>,
        %add3A_484 = arith.constant 144 : i32
        %add3A_485 = arith.addi %mul3A_412, %add3A_484 : i32
        %swap3A_486 = arith.constant 1 : i32
        %swap3A_487 = arith.constant 0 : i32
        %swap3A_488 = arith.index_cast %swap3A_486 : i32 to index
        %swap3A_489 = arith.index_cast %swap3A_487 : i32 to index
        %swap3A_490 = arith.index_cast %add3A_485 : i32 to index
        %swap3A_491 = tpu.vector_load %arg5[%swap3A_488, %swap3A_489, %swap3A_490] {strides = array<i32>} : memref<2x1x40000xf32, #tpu.memory_space<vmem>>, vector<16xf32>,
        tpu.vector_store %arg5[%swap3A_488, %swap3A_489, %swap3A_490], %gather3A_223 {strides = array<i32>} : memref<2x1x40000xf32, #tpu.memory_space<vmem>>, vector<16xf32>,
        %add3A_492 = arith.constant 160 : i32
        %add3A_493 = arith.addi %mul3A_412, %add3A_492 : i32
        %swap3A_494 = arith.constant 1 : i32
        %swap3A_495 = arith.constant 0 : i32
        %swap3A_496 = arith.index_cast %swap3A_494 : i32 to index
        %swap3A_497 = arith.index_cast %swap3A_495 : i32 to index
        %swap3A_498 = arith.index_cast %add3A_493 : i32 to index
        %swap3A_499 = tpu.vector_load %arg5[%swap3A_496, %swap3A_497, %swap3A_498] {strides = array<i32>} : memref<2x1x40000xf32, #tpu.memory_space<vmem>>, vector<16xf32>,
        tpu.vector_store %arg5[%swap3A_496, %swap3A_497, %swap3A_498], %gather3A_234 {strides = array<i32>} : memref<2x1x40000xf32, #tpu.memory_space<vmem>>, vector<16xf32>,
        %add3A_500 = arith.constant 176 : i32
        %add3A_501 = arith.addi %mul3A_412, %add3A_500 : i32
        %swap3A_502 = arith.constant 1 : i32
        %swap3A_503 = arith.constant 0 : i32
        %swap3A_504 = arith.index_cast %swap3A_502 : i32 to index
        %swap3A_505 = arith.index_cast %swap3A_503 : i32 to index
        %swap3A_506 = arith.index_cast %add3A_501 : i32 to index
        %swap3A_507 = tpu.vector_load %arg5[%swap3A_504, %swap3A_505, %swap3A_506] {strides = array<i32>} : memref<2x1x40000xf32, #tpu.memory_space<vmem>>, vector<16xf32>,
        tpu.vector_store %arg5[%swap3A_504, %swap3A_505, %swap3A_506], %gather3A_245 {strides = array<i32>} : memref<2x1x40000xf32, #tpu.memory_space<vmem>>, vector<16xf32>,
        %add3A_508 = arith.constant 192 : i32
        %add3A_509 = arith.addi %mul3A_412, %add3A_508 : i32
        %swap3A_510 = arith.constant 1 : i32
        %swap3A_511 = arith.constant 0 : i32
        %swap3A_512 = arith.index_cast %swap3A_510 : i32 to index
        %swap3A_513 = arith.index_cast %swap3A_511 : i32 to index
        %swap3A_514 = arith.index_cast %add3A_509 : i32 to index
        %swap3A_515 = tpu.vector_load %arg5[%swap3A_512, %swap3A_513, %swap3A_514] {strides = array<i32>} : memref<2x1x40000xf32, #tpu.memory_space<vmem>>, vector<16xf32>,
        tpu.vector_store %arg5[%swap3A_512, %swap3A_513, %swap3A_514], %gather3A_256 {strides = array<i32>} : memref<2x1x40000xf32, #tpu.memory_space<vmem>>, vector<16xf32>,
        %add3A_516 = arith.constant 208 : i32
        %add3A_517 = arith.addi %mul3A_412, %add3A_516 : i32
        %swap3A_518 = arith.constant 1 : i32
        %swap3A_519 = arith.constant 0 : i32
        %swap3A_520 = arith.index_cast %swap3A_518 : i32 to index
        %swap3A_521 = arith.index_cast %swap3A_519 : i32 to index
        %swap3A_522 = arith.index_cast %add3A_517 : i32 to index
        %swap3A_523 = tpu.vector_load %arg5[%swap3A_520, %swap3A_521, %swap3A_522] {strides = array<i32>} : memref<2x1x40000xf32, #tpu.memory_space<vmem>>, vector<16xf32>,
        tpu.vector_store %arg5[%swap3A_520, %swap3A_521, %swap3A_522], %gather3A_267 {strides = array<i32>} : memref<2x1x40000xf32, #tpu.memory_space<vmem>>, vector<16xf32>,
        %add3A_524 = arith.constant 224 : i32
        %add3A_525 = arith.addi %mul3A_412, %add3A_524 : i32
        %swap3A_526 = arith.constant 1 : i32
        %swap3A_527 = arith.constant 0 : i32
        %swap3A_528 = arith.index_cast %swap3A_526 : i32 to index
        %swap3A_529 = arith.index_cast %swap3A_527 : i32 to index
        %swap3A_530 = arith.index_cast %add3A_525 : i32 to index
        %swap3A_531 = tpu.vector_load %arg5[%swap3A_528, %swap3A_529, %swap3A_530] {strides = array<i32>} : memref<2x1x40000xf32, #tpu.memory_space<vmem>>, vector<16xf32>,
        tpu.vector_store %arg5[%swap3A_528, %swap3A_529, %swap3A_530], %gather3A_278 {strides = array<i32>} : memref<2x1x40000xf32, #tpu.memory_space<vmem>>, vector<16xf32>,
        %add3A_532 = arith.constant 240 : i32
        %add3A_533 = arith.addi %mul3A_412, %add3A_532 : i32
        %swap3A_534 = arith.constant 1 : i32
        %swap3A_535 = arith.constant 0 : i32
        %swap3A_536 = arith.index_cast %swap3A_534 : i32 to index
        %swap3A_537 = arith.index_cast %swap3A_535 : i32 to index
        %swap3A_538 = arith.index_cast %add3A_533 : i32 to index
        %swap3A_539 = tpu.vector_load %arg5[%swap3A_536, %swap3A_537, %swap3A_538] {strides = array<i32>} : memref<2x1x40000xf32, #tpu.memory_space<vmem>>, vector<16xf32>,
        tpu.vector_store %arg5[%swap3A_536, %swap3A_537, %swap3A_538], %gather3A_289 {strides = array<i32>} : memref<2x1x40000xf32, #tpu.memory_space<vmem>>, vector<16xf32>,
        %add3A_540 = arith.constant 256 : i32
        %add3A_541 = arith.addi %mul3A_412, %add3A_540 : i32
        %swap3A_542 = arith.constant 1 : i32
        %swap3A_543 = arith.constant 0 : i32
        %swap3A_544 = arith.index_cast %swap3A_542 : i32 to index
        %swap3A_545 = arith.index_cast %swap3A_543 : i32 to index
        %swap3A_546 = arith.index_cast %add3A_541 : i32 to index
        %swap3A_547 = tpu.vector_load %arg5[%swap3A_544, %swap3A_545, %swap3A_546] {strides = array<i32>} : memref<2x1x40000xf32, #tpu.memory_space<vmem>>, vector<16xf32>,
        tpu.vector_store %arg5[%swap3A_544, %swap3A_545, %swap3A_546], %gather3A_300 {strides = array<i32>} : memref<2x1x40000xf32, #tpu.memory_space<vmem>>, vector<16xf32>,
        %add3A_548 = arith.constant 272 : i32
        %add3A_549 = arith.addi %mul3A_412, %add3A_548 : i32
        %swap3A_550 = arith.constant 1 : i32
        %swap3A_551 = arith.constant 0 : i32
        %swap3A_552 = arith.index_cast %swap3A_550 : i32 to index
        %swap3A_553 = arith.index_cast %swap3A_551 : i32 to index
        %swap3A_554 = arith.index_cast %add3A_549 : i32 to index
        %swap3A_555 = tpu.vector_load %arg5[%swap3A_552, %swap3A_553, %swap3A_554] {strides = array<i32>} : memref<2x1x40000xf32, #tpu.memory_space<vmem>>, vector<16xf32>,
        tpu.vector_store %arg5[%swap3A_552, %swap3A_553, %swap3A_554], %gather3A_311 {strides = array<i32>} : memref<2x1x40000xf32, #tpu.memory_space<vmem>>, vector<16xf32>,
        %add3A_556 = arith.constant 288 : i32
        %add3A_557 = arith.addi %mul3A_412, %add3A_556 : i32
        %swap3A_558 = arith.constant 1 : i32
        %swap3A_559 = arith.constant 0 : i32
        %swap3A_560 = arith.index_cast %swap3A_558 : i32 to index
        %swap3A_561 = arith.index_cast %swap3A_559 : i32 to index
        %swap3A_562 = arith.index_cast %add3A_557 : i32 to index
        %swap3A_563 = tpu.vector_load %arg5[%swap3A_560, %swap3A_561, %swap3A_562] {strides = array<i32>} : memref<2x1x40000xf32, #tpu.memory_space<vmem>>, vector<16xf32>,
        tpu.vector_store %arg5[%swap3A_560, %swap3A_561, %swap3A_562], %gather3A_322 {strides = array<i32>} : memref<2x1x40000xf32, #tpu.memory_space<vmem>>, vector<16xf32>,
        %add3A_564 = arith.constant 304 : i32
        %add3A_565 = arith.addi %mul3A_412, %add3A_564 : i32
        %swap3A_566 = arith.constant 1 : i32
        %swap3A_567 = arith.constant 0 : i32
        %swap3A_568 = arith.index_cast %swap3A_566 : i32 to index
        %swap3A_569 = arith.index_cast %swap3A_567 : i32 to index
        %swap3A_570 = arith.index_cast %add3A_565 : i32 to index
        %swap3A_571 = tpu.vector_load %arg5[%swap3A_568, %swap3A_569, %swap3A_570] {strides = array<i32>} : memref<2x1x40000xf32, #tpu.memory_space<vmem>>, vector<16xf32>,
        tpu.vector_store %arg5[%swap3A_568, %swap3A_569, %swap3A_570], %gather3A_333 {strides = array<i32>} : memref<2x1x40000xf32, #tpu.memory_space<vmem>>, vector<16xf32>,
        %add3A_572 = arith.constant 320 : i32
        %add3A_573 = arith.addi %mul3A_412, %add3A_572 : i32
        %swap3A_574 = arith.constant 1 : i32
        %swap3A_575 = arith.constant 0 : i32
        %swap3A_576 = arith.index_cast %swap3A_574 : i32 to index
        %swap3A_577 = arith.index_cast %swap3A_575 : i32 to index
        %swap3A_578 = arith.index_cast %add3A_573 : i32 to index
        %swap3A_579 = tpu.vector_load %arg5[%swap3A_576, %swap3A_577, %swap3A_578] {strides = array<i32>} : memref<2x1x40000xf32, #tpu.memory_space<vmem>>, vector<16xf32>,
        tpu.vector_store %arg5[%swap3A_576, %swap3A_577, %swap3A_578], %gather3A_344 {strides = array<i32>} : memref<2x1x40000xf32, #tpu.memory_space<vmem>>, vector<16xf32>,
        %add3A_580 = arith.constant 336 : i32
        %add3A_581 = arith.addi %mul3A_412, %add3A_580 : i32
        %swap3A_582 = arith.constant 1 : i32
        %swap3A_583 = arith.constant 0 : i32
        %swap3A_584 = arith.index_cast %swap3A_582 : i32 to index
        %swap3A_585 = arith.index_cast %swap3A_583 : i32 to index
        %swap3A_586 = arith.index_cast %add3A_581 : i32 to index
        %swap3A_587 = tpu.vector_load %arg5[%swap3A_584, %swap3A_585, %swap3A_586] {strides = array<i32>} : memref<2x1x40000xf32, #tpu.memory_space<vmem>>, vector<16xf32>,
        tpu.vector_store %arg5[%swap3A_584, %swap3A_585, %swap3A_586], %gather3A_355 {strides = array<i32>} : memref<2x1x40000xf32, #tpu.memory_space<vmem>>, vector<16xf32>,
        %add3A_588 = arith.constant 352 : i32
        %add3A_589 = arith.addi %mul3A_412, %add3A_588 : i32
        %swap3A_590 = arith.constant 1 : i32
        %swap3A_591 = arith.constant 0 : i32
        %swap3A_592 = arith.index_cast %swap3A_590 : i32 to index
        %swap3A_593 = arith.index_cast %swap3A_591 : i32 to index
        %swap3A_594 = arith.index_cast %add3A_589 : i32 to index
        %swap3A_595 = tpu.vector_load %arg5[%swap3A_592, %swap3A_593, %swap3A_594] {strides = array<i32>} : memref<2x1x40000xf32, #tpu.memory_space<vmem>>, vector<16xf32>,
        tpu.vector_store %arg5[%swap3A_592, %swap3A_593, %swap3A_594], %gather3A_366 {strides = array<i32>} : memref<2x1x40000xf32, #tpu.memory_space<vmem>>, vector<16xf32>,
        %add3A_596 = arith.constant 368 : i32
        %add3A_597 = arith.addi %mul3A_412, %add3A_596 : i32
        %swap3A_598 = arith.constant 1 : i32
        %swap3A_599 = arith.constant 0 : i32
        %swap3A_600 = arith.index_cast %swap3A_598 : i32 to index
        %swap3A_601 = arith.index_cast %swap3A_599 : i32 to index
        %swap3A_602 = arith.index_cast %add3A_597 : i32 to index
        %swap3A_603 = tpu.vector_load %arg5[%swap3A_600, %swap3A_601, %swap3A_602] {strides = array<i32>} : memref<2x1x40000xf32, #tpu.memory_space<vmem>>, vector<16xf32>,
        tpu.vector_store %arg5[%swap3A_600, %swap3A_601, %swap3A_602], %gather3A_377 {strides = array<i32>} : memref<2x1x40000xf32, #tpu.memory_space<vmem>>, vector<16xf32>,
        %add3A_604 = arith.constant 384 : i32
        %add3A_605 = arith.addi %mul3A_412, %add3A_604 : i32
        %swap3A_606 = arith.constant 1 : i32
        %swap3A_607 = arith.constant 0 : i32
        %swap3A_608 = arith.index_cast %swap3A_606 : i32 to index
        %swap3A_609 = arith.index_cast %swap3A_607 : i32 to index
        %swap3A_610 = arith.index_cast %add3A_605 : i32 to index
        %swap3A_611 = tpu.vector_load %arg5[%swap3A_608, %swap3A_609, %swap3A_610] {strides = array<i32>} : memref<2x1x40000xf32, #tpu.memory_space<vmem>>, vector<16xf32>,
        tpu.vector_store %arg5[%swap3A_608, %swap3A_609, %swap3A_610], %gather3A_388 {strides = array<i32>} : memref<2x1x40000xf32, #tpu.memory_space<vmem>>, vector<16xf32>,
      }
      %scan3A_394 = arith.constant 100 : i32
      %dma_start3A_395 = arith.constant 1 : i32
      %dma_start3A_396 = arith.constant 1 : i32
      %dma_start3A_397 = arith.constant 0 : i32
      %dma_start3A_398 = arith.constant 0 : i32
      %dma_start3A_399 = tpu.memref_slice %arg5[%dma_start3A_396, %dma_start3A_397, %dma_start3A_398] : memref<2x1x40000xf32, #tpu.memory_space<vmem>> -> memref<1x1x40000xf32, #tpu.memory_space<vmem>>
      %dma_start3A_400 = arith.constant 0 : i32
      %dma_start3A_401 = tpu.memref_slice %arg3[%select_n3A, %add3A_80, %dma_start3A_400] : memref<16x64x40000xf32, #tpu.memory_space<hbm>> -> memref<1x1x40000xf32, #tpu.memory_space<hbm>>
      %dma_start3A_402 = tpu.memref_slice %arg6[%dma_start3A_395] : memref<2x!tpu.dma_semaphore, #tpu.memory_space<semaphore_mem>> -> memref<1x!tpu.dma_semaphore, #tpu.memory_space<semaphore_mem>>
      %dma_start3A_403 = tpu.memref_squeeze %dma_start3A_402 : memref<1x!tpu.dma_semaphore, #tpu.memory_space<semaphore_mem>> -> memref<!tpu.dma_semaphore, #tpu.memory_space<semaphore_mem>>
      %dma_start3A_404 = arith.constant 0 : i32
      %dma_start3A_405 = tpu.memref_slice %arg3[%select_n3A, %add3A_80, %dma_start3A_404] : memref<16x64x40000xf32, #tpu.memory_space<hbm>> -> memref<1x1x40000xf32, #tpu.memory_space<hbm>>
      %dma_start3A_406 = arith.constant 1 : i32
      %dma_start3A_407 = arith.constant 0 : i32
      %dma_start3A_408 = arith.constant 0 : i32
      %dma_start3A_409 = tpu.memref_slice %arg5[%dma_start3A_406, %dma_start3A_407, %dma_start3A_408] : memref<2x1x40000xf32, #tpu.memory_space<vmem>> -> memref<1x1x40000xf32, #tpu.memory_space<vmem>>
      tpu.enqueue_dma source(%dma_start3A_409 : memref<1x1x40000xf32, #tpu.memory_space<vmem>>) target(%dma_start3A_405 : memref<1x1x40000xf32, #tpu.memory_space<hbm>>) target_semaphore(%dma_start3A_403 : memref<!tpu.dma_semaphore, #tpu.memory_space<semaphore_mem>>)
    }
    %scan3A_38 = arith.constant 16 : i32
    %dma_wait3A = arith.constant 0 : i32
    %dma_wait3A_39 = arith.constant 0 : i32
    %dma_wait3A_40 = arith.constant 0 : i32
    %dma_wait3A_41 = arith.constant 0 : i32
    %dma_wait3A_42 = tpu.memref_slice %arg5[%dma_wait3A_39, %dma_wait3A_40, %dma_wait3A_41] : memref<2x1x40000xf32, #tpu.memory_space<vmem>> -> memref<1x1x40000xf32, #tpu.memory_space<vmem>>
    %dma_wait3A_43 = arith.constant 0 : i32
    %dma_wait3A_44 = arith.constant 0 : i32
    %dma_wait3A_45 = tpu.memref_slice %arg3[%select_n3A, %dma_wait3A_43, %dma_wait3A_44] : memref<16x64x40000xf32, #tpu.memory_space<hbm>> -> memref<1x1x40000xf32, #tpu.memory_space<hbm>>
    %dma_wait3A_46 = tpu.memref_slice %arg6[%dma_wait3A] : memref<2x!tpu.dma_semaphore, #tpu.memory_space<semaphore_mem>> -> memref<1x!tpu.dma_semaphore, #tpu.memory_space<semaphore_mem>>
    %dma_wait3A_47 = tpu.memref_squeeze %dma_wait3A_46 : memref<1x!tpu.dma_semaphore, #tpu.memory_space<semaphore_mem>> -> memref<!tpu.dma_semaphore, #tpu.memory_space<semaphore_mem>>
    %dma_wait3A_48 = arith.constant 0 : i32
    %dma_wait3A_49 = arith.constant 0 : i32
    %dma_wait3A_50 = tpu.memref_slice %arg3[%select_n3A, %dma_wait3A_48, %dma_wait3A_49] : memref<16x64x40000xf32, #tpu.memory_space<hbm>> -> memref<1x1x40000xf32, #tpu.memory_space<hbm>>
    %dma_wait3A_51 = arith.constant 0 : i32
    %dma_wait3A_52 = arith.constant 0 : i32
    %dma_wait3A_53 = arith.constant 0 : i32
    %dma_wait3A_54 = tpu.memref_slice %arg5[%dma_wait3A_51, %dma_wait3A_52, %dma_wait3A_53] : memref<2x1x40000xf32, #tpu.memory_space<vmem>> -> memref<1x1x40000xf32, #tpu.memory_space<vmem>>
    tpu.wait_dma2 semaphore(%dma_wait3A_47 : memref<!tpu.dma_semaphore, #tpu.memory_space<semaphore_mem>>) src(%dma_wait3A_54 : memref<1x1x40000xf32, #tpu.memory_space<vmem>>) dst(%dma_wait3A_50 : memref<1x1x40000xf32, #tpu.memory_space<hbm>>)
    %dma_wait3A_55 = arith.constant 1 : i32
    %dma_wait3A_56 = arith.constant 1 : i32
    %dma_wait3A_57 = arith.constant 0 : i32
    %dma_wait3A_58 = arith.constant 0 : i32
    %dma_wait3A_59 = tpu.memref_slice %arg5[%dma_wait3A_56, %dma_wait3A_57, %dma_wait3A_58] : memref<2x1x40000xf32, #tpu.memory_space<vmem>> -> memref<1x1x40000xf32, #tpu.memory_space<vmem>>
    %dma_wait3A_60 = arith.constant 0 : i32
    %dma_wait3A_61 = arith.constant 0 : i32
    %dma_wait3A_62 = tpu.memref_slice %arg3[%select_n3A, %dma_wait3A_60, %dma_wait3A_61] : memref<16x64x40000xf32, #tpu.memory_space<hbm>> -> memref<1x1x40000xf32, #tpu.memory_space<hbm>>
    %dma_wait3A_63 = tpu.memref_slice %arg6[%dma_wait3A_55] : memref<2x!tpu.dma_semaphore, #tpu.memory_space<semaphore_mem>> -> memref<1x!tpu.dma_semaphore, #tpu.memory_space<semaphore_mem>>
    %dma_wait3A_64 = tpu.memref_squeeze %dma_wait3A_63 : memref<1x!tpu.dma_semaphore, #tpu.memory_space<semaphore_mem>> -> memref<!tpu.dma_semaphore, #tpu.memory_space<semaphore_mem>>
    %dma_wait3A_65 = arith.constant 0 : i32
    %dma_wait3A_66 = arith.constant 0 : i32
    %dma_wait3A_67 = tpu.memref_slice %arg3[%select_n3A, %dma_wait3A_65, %dma_wait3A_66] : memref<16x64x40000xf32, #tpu.memory_space<hbm>> -> memref<1x1x40000xf32, #tpu.memory_space<hbm>>
    %dma_wait3A_68 = arith.constant 1 : i32
    %dma_wait3A_69 = arith.constant 0 : i32
    %dma_wait3A_70 = arith.constant 0 : i32
    %dma_wait3A_71 = tpu.memref_slice %arg5[%dma_wait3A_68, %dma_wait3A_69, %dma_wait3A_70] : memref<2x1x40000xf32, #tpu.memory_space<vmem>> -> memref<1x1x40000xf32, #tpu.memory_space<vmem>>
    tpu.wait_dma2 semaphore(%dma_wait3A_64 : memref<!tpu.dma_semaphore, #tpu.memory_space<semaphore_mem>>) src(%dma_wait3A_71 : memref<1x1x40000xf32, #tpu.memory_space<vmem>>) dst(%dma_wait3A_67 : memref<1x1x40000xf32, #tpu.memory_space<hbm>>)
    return
  }
}

</mosaic_0001>

<sc_bundles>
// kernel: kernel.3.cloned.1.call-start
scs
__scs_entry_jumppad:
0x0: {  	(pc) =	sbr.rel $0x88, $3  }
0x1: {  	(tag) =	ssettag $0x0;
	lr =	simm.s32 $0x1  }
0x2: {  	[smem:$0x3FA0] =	sst lr;
	_ =	strace $0xD0000000  }
0x3: {  	_ = 	snop  }
0x4: {  	_ = 	snop  }
0x5: {  	_ = 	snop  }
0x6: {  	_ = 	snop  }
0x7: {  	_ = 	snop  }
__scs_overlays_trampoline_lowered:
0x8: {  	[smem:$0x3FAF] =	sst s0  }
0x9: {  	[smem:$0x3FB0] =	sst s1  }
0xa: {  	[smem:$0x3FB1] =	sst s2  }
0xb: {  	[smem:$0x3FB2] =	sst s3  }
0xc: {  	[smem:$0x3FB3] =	sst s4  }
0xd: {  	[smem:$0x3FB4] =	sst s5  }
0xe: {  	[smem:$0x3FB5] =	sst s6  }
0xf: {  	[smem:$0x3FB6] =	sst s7  }
0x10: {  	[smem:$0x3FB7] =	sst s8  }
0x11: {  	[smem:$0x3FB8] =	sst s9;
	s0 =	simm.s32 @!p0 $0x0  }
0x12: {  	s1 =	sld [smem:$0x3F9E];
	s0 =	simm.s32 @p0 $0x1  }
0x13: {  	[smem:$0x3FB9] =	sst s0;
	s0 =	simm.s32 @!p1 $0x0  }
0x14: {  	s2 =	sld [smem:$0x3F9D];
	s0 =	simm.s32 @p1 $0x1  }
0x15: {  	[smem:$0x3FBA] =	sst s0;
	s0 =	simm.s32 @!p2 $0x0  }
0x16: {  	s3 =	sld [smem:$0x3FDB];
	s0 =	simm.s32 @p2 $0x1  }
0x17: {  	s4 =	simm.s32 $0x1BF5;
	[smem:$0x3FBC] =	sst s0  }
0x18: {  	s0 =	sld [smem:$0x3F9F];
	_ =	swait.ge [sflag:s4], $0x0  }
0x19: {  	s7 =	sld [smem:$0x3FA0]  }
0x1a: {  	s8 =	sadd.s32 $0xFFFFE003, lr  }
0x1b: {  	s9 =	sadd.s32 $0xFFFFFEF7, lr;
	s5 =	simm.s32 $0xFFFFFFFF;
	p2 =	slt.u32 s8, $0xFFFFF086  }
0x1c: {  	p1 =	slt.u32 s9, $0xF7A;
	s5 =	simm.s32 @!p2 $0x0  }
0x1d: {  	s5 =	simm.s32 @p1 $0x1;
	p0 =	seq.s32 s7, s2  }
0x1e: {  	s7 =	smul.u32 @!p0 $0xF7A, s2;
	p2 =	seq.s32 @!p0 s5, $0x0  }
0x1f: {  	s9 =	smul.u32 $0xF7A, s1;
	s8 =	simm.s32 @!p0 $0x1BF5;
	p2 =	por !p2, p0  }
0x20: {  	[sflag:s8] =	ssyncset.s32 @!p0 $0xFFFFF086;
	s6 =	sadd.s32 @!p0 s3, s7;
	s7 =	simm.s32 @!p0 $0x108  }
0x21: {  	s3 =	sadd.s32 s3, s9;
	s6 =	sadd.s32 @!p0 $0x88, s6;
	s7 =	simm.s32 @p2 $0x1082  }
0x22: {  	[simem:s7], [sflag:s8] =	dma.local @!p0 [hbm:s6], $0xF7A  }
0x23: {  	s9 =	sor.u32 $0xD0000000, s2;
	s6 =	simm.s32 $0x108;
	_ =	swait.ge @!p0 [sflag:s8], $0x0  }
0x24: {  	s3 =	sadd.s32 $0x88, s3;
	s6 =	simm.s32 @!p1 $0x1082;
	[sflag:s4] =	ssyncset.s32 $0xFFFFF086  }
0x25: {  	[simem:s6], [sflag:s4] =	dma.local [hbm:s3], $0xF7A  }
0x26: {  	[smem:$0x3FA0] =	sst s1;
	(tag) =	ssettag s2;
	_ =	strace s9  }
0x27: {  	s1 =	sld [smem:$0x3FB0]  }
0x28: {  	s2 =	sld [smem:$0x3FB1]  }
0x29: {  	s4 =	sld [smem:$0x3FB3]  }
0x2a: {  	p0 =	seq.s32 s5, $0x0;
	s5 =	sld [smem:$0x3FB4]  }
0x2b: {  	s6 =	sld [smem:$0x3FB5]  }
0x2c: {  	s7 =	sld [smem:$0x3FB6]  }
0x2d: {  	s3 =	simm.s32 $0x108;
	s8 =	sld [smem:$0x3FB7]  }
0x2e: {  	s3 =	simm.s32 @!p0 $0x1082;
	s9 =	sld [smem:$0x3FB8]  }
0x2f: {  	lr =	sadd.s32 s0, s3;
	s0 =	sld [smem:$0x3FAF]  }
0x30: {  	s3 =	sld [smem:$0x3FB2]  }
0x31: {  	[smem:$0x3FBB] =	sst s10  }
0x32: {  	s10 =	sld [smem:$0x3FB9];
	_ =	sdelay $0x3  }
0x33: {  	p0 =	seq.s32 s10, $0x1;
	s10 =	sld [smem:$0x3FBB];
	_ =	sdelay $0x3  }
0x34: {  	[smem:$0x3FBB] =	sst s10  }
0x35: {  	s10 =	sld [smem:$0x3FBA];
	_ =	sdelay $0x3  }
0x36: {  	p1 =	seq.s32 s10, $0x1;
	s10 =	sld [smem:$0x3FBB];
	_ =	sdelay $0x3  }
0x37: {  	[smem:$0x3FBB] =	sst s10  }
0x38: {  	s10 =	sld [smem:$0x3FBC]  }
0x39: {  	_ = 	snop;
	(pc) =	sbr.ind lr, $3  }
0x3a: {  	_ = 	snop  }
0x3b: {  	_ = 	snop  }
0x3c: {  	p2 =	seq.s32 s10, $0x1;
	s10 =	sld [smem:$0x3FBB]  }
0x3d: {  	_ =	shalt  }
0x3e: {  	_ =	shalt  }
0x3f: {  	_ =	shalt  }
0x40: {  	_ =	shalt  }
0x41: {  	_ =	shalt  }
0x42: {  	_ =	shalt  }
0x43: {  	_ =	shalt  }
0x44: {  	_ =	shalt  }
0x45: {  	_ =	shalt  }
0x46: {  	_ =	shalt  }
0x47: {  	_ =	shalt  }
0x48: {  	_ =	shalt  }
0x49: {  	_ =	shalt  }
0x4a: {  	_ =	shalt  }
0x4b: {  	_ =	shalt  }
0x4c: {  	_ =	shalt  }
0x4d: {  	_ =	shalt  }
0x4e: {  	_ =	shalt  }
0x4f: {  	_ =	shalt  }
0x50: {  	_ =	shalt  }
0x51: {  	_ =	shalt  }
0x52: {  	_ =	shalt  }
0x53: {  	_ =	shalt  }
0x54: {  	_ =	shalt  }
0x55: {  	_ =	shalt  }
0x56: {  	_ =	shalt  }
0x57: {  	_ =	shalt  }
0x58: {  	_ =	shalt  }
0x59: {  	_ =	shalt  }
0x5a: {  	_ =	shalt  }
0x5b: {  	_ =	shalt  }
0x5c: {  	_ =	shalt  }
0x5d: {  	_ =	shalt  }
0x5e: {  	_ =	shalt  }
0x5f: {  	_ =	shalt  }
0x60: {  	_ =	shalt  }
0x61: {  	_ =	shalt  }
0x62: {  	_ =	shalt  }
0x63: {  	_ =	shalt  }
0x64: {  	_ =	shalt  }
0x65: {  	_ =	shalt  }
0x66: {  	_ =	shalt  }
0x67: {  	_ =	shalt  }
0x68: {  	_ =	shalt  }
0x69: {  	_ =	shalt  }
0x6a: {  	_ =	shalt  }
0x6b: {  	_ =	shalt  }
0x6c: {  	_ =	shalt  }
0x6d: {  	_ =	shalt  }
0x6e: {  	_ =	shalt  }
0x6f: {  	_ =	shalt  }
0x70: {  	_ =	shalt  }
0x71: {  	_ =	shalt  }
0x72: {  	_ =	shalt  }
0x73: {  	_ =	shalt  }
0x74: {  	_ =	shalt  }
0x75: {  	_ =	shalt  }
0x76: {  	_ =	shalt  }
0x77: {  	_ =	shalt  }
0x78: {  	_ =	shalt  }
0x79: {  	_ =	shalt  }
0x7a: {  	_ =	shalt  }
0x7b: {  	_ =	shalt  }
0x7c: {  	_ =	shalt  }
0x7d: {  	_ =	shalt  }
0x7e: {  	_ =	shalt  }
0x7f: {  	_ =	shalt  }
0x80: {  	_ =	shalt  }
0x81: {  	_ =	shalt  }
0x82: {  	_ =	shalt  }
0x83: {  	_ =	shalt  }
0x84: {  	_ =	shalt  }
0x85: {  	_ =	shalt  }
0x86: {  	_ =	shalt  }
0x87: {  	_ =	shalt  }
.Lfunc_end0:
.L_simem_size_0:
called_computation_lowered:
.L_overlay_start_0:
0x88: {  	s2 =	sld [smem:$0x3FD9]  }
0x89: {  	s3 =	sld [smem:$0x3FFE];
	_ =	sdelay $0x1  }
0x8a: {  	s1 =	srdreg.scid  }
0x8b: {  	s0 =	sand.u32 $0x1, s1  }
0x8c: {  	s17 =	sshll.u32 s0, $0xA;
	s2 =	sadd.s32 s3, s2  }
0x8d: {  	s2 =	sadd.s32 s2, s17  }
0x8e: {  	[smem:$0x3FC7] =	sst s2  }
0x8f: {  	_ = 	snop  }
0x90: {  	s2 =	sld [smem:$0x3FD0];
	(tm) =	ssettm $0x1  }
0x91: {  	s18 =	sld [smem:$0x3FFB];
	_ =	sdelay $0x3  }
0x92: {  	_ =	strace s18  }
0x93: {  	s3 =	sld [smem:$0x3FFC];
	_ =	sdelay $0x3  }
0x94: {  	_ =	strace s3  }
0x95: {  	s3 =	sld [smem:$0x3FFD];
	_ =	sdelay $0x3  }
0x96: {  	_ =	strace s3  }
0x97: {  	_ =	strace $0x8FFFFFFF  }
0x98: {  	s19 =	sld [smem:$0x3FDB];
	_ =	sdelay $0x1  }
0x99: {  	s4 =	simm.s32 $_scs_section_size  }
0x9a: {  	s5 =	simm.s32 $_size__tile_overlayer_lowered;
	s6 =	simm.s32 $_tile_overlayer_lowered  }
0x9b: {  	s22 =	simm.s32 $0x1BFF;
	s21 =	sshll.u32 s6, $0x1;
	s3 =	sadd.s32 s4, s19  }
0x9c: {  	s7 =	simm.s32 $0x0;
	s20 =	sshll.u32 s5, $0x1;
	s5 =	sadd.s32 s21, s3  }
0x9d: {  	[timem:s7], [sflag:s22] =	dma.local [hbm:s5], s20  }
0x9e: {  	_ =	swait.ge [sflag:s22], s20  }
0x9f: {  	s4 =	ssub.s32 $0x0, s20;
	[sflag:s22] =	ssyncset.done $0x0  }
0xa0: {  	[sflag:s22] =	ssyncadd.s32 s4;
	_ =	sdelay $0x1  }
0xa1: {  	s23 =	simm.s32 $0x1B8B  }
0xa2: {  	_ =	swait.ge [sflag:s23], $0x1  }
0xa3: {  	[sflag:s23] =	ssyncset.done $0x0  }
0xa4: {  	s25 =	simm.s32 $0x1B8E;
	s24 =	sld [smem:$0x3FFE];
	[sflag:s23] =	ssyncadd.s32 $0xFFFFFFFF  }
0xa5: {  	s26 =	simm.s32 $execute0_lowered;
	[smem:$0x3FD2] =	sst s25  }
0xa6: {  	s5 =	sshll.u32 s26, $0x1;
	_ =	strace $0x80000046;
	[dreg:$0x1] =	wrdreg $0xFFFFFFFF  }
0xa7: {  	s28 =	simm.s32 $_size_execute0_lowered;
	s3 =	sadd.s32 s3, s5;
	[dreg:$0x0] =	wrdreg $0x0  }
0xa8: {  	s5 =	sshll.u32 s28, $0x1;
	[dreg:$0x2] =	wrdreg s3  }
0xa9: {  	[dreg:$0x3] =	wrdreg s5  }
0xaa: {  	[dreg:$0x4] =	wrdreg $0xC0  }
0xab: {  	_ =	task [dreg:s7], $0x5FFFF  }
0xac: {  	[dreg:$0x1] =	wrdreg $0xFFFFFFFF  }
0xad: {  	[dreg:$0x0] =	wrdreg $0x60  }
0xae: {  	[dreg:$0x2] =	wrdreg s24  }
0xaf: {  	[dreg:$0x3] =	wrdreg s2  }
0xb0: {  	[dreg:$0x4] =	wrdreg $0x9  }
0xb1: {  	_ =	task.clear_ibuf [dreg:s7], $0x5FFFF;
	_ =	strace $0x90000046  }
0xb2: {  	s29 =	simm.s32 $0x9;
	_ =	strace $0x80000048  }
0xb3: {  	_ =	swait.ge [sflag:s29], $0x1  }
0xb4: {  	[sflag:s29] =	ssyncadd.s32 $0xFFFFFFFF  }
0xb5: {  	_ =	strace $0x90000048  }
0xb6: {  	_ =	sfence  }
0xb7: {  	s30 =	sld [smem:$0x0];
	_ =	sdelay $0x2  }
0xb8: {  	s31 =	sshll.u32 s1, $0xD;
	s1 =	sshrl.u32 s1, $0x2  }
0xb9: {  	s3 =	sand.u32 $0x4000, s31;
	s1 =	sadd.s32 s1, s30  }
0xba: {  	s0 =	sor.u32 s3, s0;
	s1 =	sshll.u32 s1, $0x11  }
0xbb: {  	s0 =	sor.u32 s1, s0  }
0xbc: {  	s0 =	sadd.s32 $0x8F2B, s0  }
0xbd: {  	[sflag:s0] =	ssyncadd.remote.s32 $0x1  }
0xbe: {  	_ =	sfence.sel $0xFFFF  }
0xbf: {  	[dreg:$0x0] =	wrdreg $0xFFFFFFFF;
	(pc) =	sbr.abs _section_cstart, $3  }
0xc0: {  	[dreg:$0x1] =	wrdreg $0xFFFFFFFF  }
0xc1: {  	_ =	task.clear_ibuf [dreg:s7], $0x2FFFF;
	_ =	strace $0x9FFFFFFF  }
0xc2: {  	(tm) =	ssettm $0x7FFFFFFF  }
0xc3: {  	_ =	shalt  }
tec
execute0_lowered:
.L_overlay_start_1:
0x0: {  	(tag) =	ssettag $0x1  }
0x1: {  	v0 =	vimm.s32 $0x380;
	vm0 =	vcmask $0x300  }
0x2: {  	v0 =	vsel vm0, $0x6000, v0;
	vm0 =	vcmask $0x704  }
0x3: {  	v0 =	vsel vm0, $0x6080, v0;
	vm0 =	vcmask $0xB08  }
0x4: {  	v1 =	vlaneseq.u32;
	v2 =	vsel vm0, $0x6100, v0;
	vm0 =	vcmask $0xF0C  }
0x5: {  	vm1 =	vcmask $0x1310;
	v0 =	vmul.u32 $0x80, v1;
	v1 =	vsel vm0, $0x6180, v2  }
0x6: {  	vm0 =	vmmov $0xff;
	v2 =	vsel vm1, $0x6200, v1;
	vm1 =	vcmask $0x1714  }
0x7: {  	s1 =	srdreg.scid;
	v1 =	vor.u32 $0x800, v0;
	v11 =	vor.u32 $0x5800, v0;
	v13 =	vadd.s32 $0x400, v0  }
0x8: {  	s0 =	stileid.u32;
	s7 =	sand.u32 $0x1, s1;
	v14 =	vadd.s32 $0xC00, v0;
	v15 =	vadd.s32 $0x1400, v0;
	v16 =	vadd.s32 $0x1C00, v0  }
0x9: {  	s1 =	sor.u32 s7, s0;
	v17 =	vadd.s32 $0x2400, v0;
	v18 =	vadd.s32 $0x2C00, v0;
	v19 =	vadd.s32 $0x3400, v0  }
0xa: {  	p1 =	seq.s32 s7, $0x1;
	p0 =	seq.s32 s1, $0x0;
	v20 =	vadd.s32 $0x3C00, v0;
	v21 =	vadd.s32 $0x4400, v0;
	v22 =	vadd.s32 $0x4C00, v0  }
0xb: {  	s5 =	rddreg [dreg:$0x0];
	s4 =	simm.s32 $0x1;
	p0 =	por !p0, !p1;
	v23 =	vadd.s32 $0x5400, v0;
	v3 =	vsel vm1, $0x6280, v2;
	vm1 =	vcmask $0x1B18  }
0xc: {  	s2 =	rddreg [dreg:$0x1];
	s3 =	simm.s32 $0x0;
	p0 =	por !p0, !p0;
	v24 =	vadd.s32 $0x5C00, v0;
	v4 =	vsel vm1, $0x6300, v3;
	vm1 =	vcmask $0x1F1C  }
0xd: {  	s11 =	simm.s32 $0x80;
	s12 =	simm.s32 $0x400;
	v2 =	vor.u32 $0x1000, v0;
	s4 =	simm.s32 @!p0 $0x0;
	v5 =	vsel vm1, $0x6380, v4;
	vm1 =	vcmask $0x2320  }
0xe: {  	s13 =	simm.s32 $0x6400;
	s14 =	simm.s32 $0x10080;
	v3 =	vor.u32 $0x1800, v0;
	s6 =	ssub.s32 s0, s4;
	v6 =	vsel vm1, $0x0, v5;
	vm1 =	vcmask $0x2724  }
0xf: {  	s15 =	simm.s32 $0x2;
	s16 =	simm.s32 $0x0;
	v4 =	vor.u32 $0x2000, v0;
	s8 =	smul.u32 $0x6400, s6;
	v7 =	vsel vm1, $0x80, v6;
	vm1 =	vcmask $0x2B28  }
0x10: {  	[smem:$0x7FF] =	sst s3;
	s9 =	ssub.s32 $0x2, s7;
	s7 =	sshll.u32 s7, $0x4;
	v5 =	vor.u32 $0x2800, v0;
	v8 =	vsel vm1, $0x100, v7;
	vm1 =	vcmask $0x2F2C  }
0x11: {  	s1 =	rddreg [dreg:$0x2];
	s10 =	sshrl.u32 s9, $0x1;
	v6 =	vor.u32 $0x3000, v0;
	s8 =	sshrl.u32 s8, $0x3;
	v9 =	vsel vm1, $0x180, v8;
	vm1 =	vcmask $0x3330  }
0x12: {  	s9 =	ssub.s32 s9, s10;
	v7 =	vor.u32 $0x3800, v0;
	s8 =	sadd.s32 s8, s5;
	s5 =	smul.u32 $0x272000, s6;
	v10 =	vsel vm1, $0x200, v9;
	vm1 =	vcmask $0x3734  }
0x13: {  	_ =	strace $0x80000047;
	s10 =	simm.s32 $0x3;
	s9 =	smax.u32 s9, $0x1;
	v8 =	vor.u32 $0x4000, v0;
	v12 =	vsel vm1, $0x280, v10;
	vm1 =	vcmask $0x3B38  }
0x14: {  	s4 =	simm.s32 $0x1;
	s6 =	sadd.s32 $0x400, s8;
	v9 =	vor.u32 $0x4800, v0;
	s8 =	sadd.s32 $0x139000, s5;
	v10 =	vor.u32 $0x5000, v0;
	v12 =	vsel vm1, $0x300, v12  }
.LBB2_1:
0x15: {  	[tilespmem:s3], [sflag:$0x3] =	stream.linear.gather [hbm4b:s6+s3], $0x6400, $0x38;
	[tilespmem:$0x19D00] =	vst v63  }
0x16: {  	_ =	swait.ge [sflag:s10], $0x6400  }
0x17: {  	[sflag:s10] =	ssyncset.done $0x0  }
0x18: {  	s17 =	simm.s32 $0x0;
	[sflag:s10] =	ssyncadd.s32 $0xFFFF9C00  }
.LBB2_2:
0x19: {  	s18 =	sadd.s32 s7, s17  }
0x1a: {  	v25 =	vmov s18  }
0x1b: {  	s19 =	simm.s32 $0x0;
	v25 =	vand.u32 $0x7F, v25  }
0x1c: {  	v26 =	vor.u32 s19, v25  }
0x1d: {  	v26 =	vbroadcast v26, $0x0  }
0x1e: {  	p0 =	seq.s32 s17, $0x0  }
0x1f: {  	s19 =	simm.s32 @!p0 $0x1  }
0x20: {  	s20 =	simm.s32 $0x80;
	_ =	swait.ge @!p0 [sflag:s19], $0x9C80  }
0x21: {  	v27 =	vor.u32 s20, v25;
	[sflag:s19] =	ssyncset.done @!p0 $0x0  }
0x22: {  	v28 =	vbroadcast v27, $0x0;
	[sflag:s19] =	ssyncadd.s32 @!p0 $0xFFFF6380  }
0x23: {  	v27 =	vld.idx.msk [tilespmem:v26+s3+$0x0], $0xffff;
	_ =	sdelay $0x3  }
0x24: {  	s20 =	simm.s32 $0x64C0  }
0x25: {  	v26 =	vld.idx.msk [tilespmem:v28+s3+$0x0], $0xffff;
	[tilespmem:s20+$0xFFFFFF60] =	vst v27  }
0x26: {  	s21 =	simm.s32 $0x0;
	[tilespmem:s20+$0xFFFFFF40] =	vst v27  }
0x27: {  	s22 =	simm.s32 $0x3;
	s23 =	simm.s32 $0x64C0;
	s19 =	simm.s32 $0x0;
	[tilespmem:s20+$0xFFFFFF50] =	vst v27  }
.LBB2_3:
0x28: {  	p1 =	sne.s32 s22, $0xC7;
	[tilespmem:s20+$0xFFFFFFB0] =	vst v27;
	s21 =	sadd.s32 $0x190, s21;
	s23 =	sadd.s32 $0x190, s23  }
0x29: {  	s24 =	smov.u32 s22;
	s22 =	sadd.s32 $0x2, s22;
	[tilespmem:s20+$0xFFFFFFA0] =	vst v27  }
0x2a: {  	[tilespmem:s20+$0xFFFFFF90] =	vst v27  }
0x2b: {  	[tilespmem:s20+$0xFFFFFF80] =	vst v27  }
0x2c: {  	s25 =	sand.u32 $0xFFF0, s19;
	s19 =	smov.u32 s21;
	[tilespmem:s20+$0xFFFFFF70] =	vst v27  }
0x2d: {  	[tilespmem:s25+$0x6480] =	vst v27  }
0x2e: {  	[tilespmem:s20+$0x30] =	vst v26  }
0x2f: {  	[tilespmem:s20+$0x20] =	vst v26  }
0x30: {  	v28 =	vsel vm0, v27, v26;
	[tilespmem:s20+$0x10] =	vst v26  }
0x31: {  	[tilespmem:s20+$0x0] =	vst v28  }
0x32: {  	[tilespmem:s20+$0xFFFFFFF0] =	vst v27  }
0x33: {  	s24 =	sshll.u32 s24, $0x7;
	[tilespmem:s20+$0xFFFFFFD0] =	vst v27  }
0x34: {  	s26 =	sadd.s32 $0xFFFFFF80, s24;
	v28 =	vor.u32 s24, v25;
	[tilespmem:s20+$0xFFFFFFE0] =	vst v27  }
0x35: {  	v27 =	vor.u32 s26, v25;
	[tilespmem:s25+$0x6500] =	vst v26  }
0x36: {  	v27 =	vbroadcast v27, $0x0;
	[tilespmem:s20+$0x50] =	vst v26  }
0x37: {  	[tilespmem:s20+$0xB0] =	vst v26  }
0x38: {  	[tilespmem:s20+$0xA0] =	vst v26  }
0x39: {  	[tilespmem:s20+$0x90] =	vst v26  }
0x3a: {  	[tilespmem:s20+$0x70] =	vst v26  }
0x3b: {  	v28 =	vbroadcast v28, $0x0;
	[tilespmem:s20+$0x60] =	vst v26  }
0x3c: {  	[tilespmem:s20+$0x80] =	vst v26;
	s20 =	smov.u32 s23  }
0x3d: {  	[tilespmem:s25+$0x6580] =	vst v26  }
0x3e: {  	v27 =	vld.idx.msk [tilespmem:v27+s3+$0x0], $0xffff;
	_ =	sdelay $0x2  }
0x3f: {  	v26 =	vld.idx.msk [tilespmem:v28+s3+$0x0], $0xffff  }
.Ltmp0:
0x40: {  	(pc) =	sbr.rel @p1 .LBB2_3-.Ltmp0, $4  }
0x41: {  	_ = 	snop  }
0x42: {  	[tilespmem:s23+$0xFFFFFF60] =	vst v27  }
0x43: {  	[tilespmem:s23+$0xFFFFFF40] =	vst v27  }
0x44: {  	[tilespmem:s23+$0xFFFFFF50] =	vst v27  }
0x45: {  	[tilespmem:s20+$0xFFFFFFB0] =	vst v27  }
0x46: {  	[tilespmem:s20+$0xFFFFFFA0] =	vst v27  }
0x47: {  	[tilespmem:s20+$0xFFFFFF90] =	vst v27  }
0x48: {  	[tilespmem:s20+$0xFFFFFF80] =	vst v27  }
0x49: {  	[tilespmem:s20+$0xFFFFFF70] =	vst v27;
	s21 =	sand.u32 $0xFFF0, s19  }
0x4a: {  	[tilespmem:s21+$0x6480] =	vst v27  }
0x4b: {  	[tilespmem:s20+$0x30] =	vst v26  }
0x4c: {  	[tilespmem:s20+$0x20] =	vst v26  }
0x4d: {  	v28 =	vsel vm0, v27, v26;
	[tilespmem:s20+$0x10] =	vst v26  }
0x4e: {  	[tilespmem:s20+$0x0] =	vst v28  }
0x4f: {  	[tilespmem:s20+$0xFFFFFFF0] =	vst v27  }
0x50: {  	[tilespmem:s20+$0xFFFFFFD0] =	vst v27  }
0x51: {  	[tilespmem:s20+$0xFFFFFFE0] =	vst v27  }
0x52: {  	[tilespmem:s21+$0x6500] =	vst v26  }
0x53: {  	[tilespmem:s20+$0x50] =	vst v26  }
0x54: {  	s18 =	sshrl.u32 s18, $0x3;
	[tilespmem:s20+$0xB0] =	vst v26  }
0x55: {  	s18 =	smul.u32 $0x4E400, s18;
	[tilespmem:s20+$0xA0] =	vst v26  }
0x56: {  	s24 =	sshll.u32 s17, $0x7;
	[tilespmem:s20+$0x90] =	vst v26  }
0x57: {  	s19 =	sand.u32 $0x380, s24;
	s22 =	sadd.s32 s5, s18;
	[tilespmem:s20+$0x70] =	vst v26  }
0x58: {  	[tilespmem:s20+$0x60] =	vst v26;
	s22 =	sor.u32 s19, s22  }
0x59: {  	v45 =	vbroadcast v25, $0x0;
	[tilespmem:s20+$0x80] =	vst v26;
	s25 =	sshrl.u32 s22, $0x3  }
0x5a: {  	[tilespmem:s21+$0x6580] =	vst v26;
	s20 =	sadd.s32 s2, s25  }
0x5b: {  	v25 =	vor.u32 v0, v45;
	[hbm4b:s20+s11] =	stream.strided.scatter [tilespmem:s13], [sflag:$0x1], $0x9C80, s12, s11, $0x38;
	[tilespmem:$0x19D00] =	vst v63  }
0x5c: {  	v26 =	vor.u32 v1, v45;
	s20 =	simm.s32 @!p0 $0x2  }
0x5d: {  	v27 =	vor.u32 v2, v45;
	_ =	swait.ge @!p0 [sflag:s20], $0x9C80  }
0x5e: {  	v28 =	vor.u32 v3, v45;
	[sflag:s20] =	ssyncset.done @!p0 $0x0  }
0x5f: {  	s26 =	simm.s32 $0x0;
	v29 =	vor.u32 v4, v45;
	[sflag:s20] =	ssyncadd.s32 @!p0 $0xFFFF6380  }
0x60: {  	v30 =	vor.u32 v5, v45;
	v25 =	vld.idx.msk [tilespmem:v25+s26+$0x0], $0xffff  }
0x61: {  	v31 =	vor.u32 v6, v45;
	v26 =	vld.idx.msk [tilespmem:v26+s26+$0x0], $0xffff  }
0x62: {  	v32 =	vor.u32 v7, v45;
	v27 =	vld.idx.msk [tilespmem:v27+s26+$0x0], $0xffff  }
0x63: {  	v33 =	vor.u32 v8, v45;
	v28 =	vld.idx.msk [tilespmem:v28+s26+$0x0], $0xffff  }
0x64: {  	v34 =	vor.u32 v9, v45;
	v29 =	vld.idx.msk [tilespmem:v29+s26+$0x0], $0xffff  }
0x65: {  	v35 =	vor.u32 v10, v45;
	v30 =	vld.idx.msk [tilespmem:v30+s26+$0x0], $0xffff  }
0x66: {  	v36 =	vor.u32 v11, v45;
	v31 =	vld.idx.msk [tilespmem:v31+s26+$0x0], $0xffff  }
0x67: {  	v37 =	vor.u32 v12, v45;
	v32 =	vld.idx.msk [tilespmem:v32+s26+$0x0], $0xffff  }
0x68: {  	v38 =	vor.u32 v13, v45;
	v33 =	vld.idx.msk [tilespmem:v33+s26+$0x0], $0xffff  }
0x69: {  	v39 =	vor.u32 v14, v45;
	v34 =	vld.idx.msk [tilespmem:v34+s26+$0x0], $0xffff  }
0x6a: {  	v40 =	vor.u32 v15, v45;
	v35 =	vld.idx.msk [tilespmem:v35+s26+$0x0], $0xffff  }
0x6b: {  	v41 =	vor.u32 v16, v45;
	v36 =	vld.idx.msk [tilespmem:v36+s26+$0x0], $0xffff  }
0x6c: {  	v42 =	vor.u32 v17, v45;
	v37 =	vld.idx.msk [tilespmem:v37+s26+$0x0], $0xffff  }
0x6d: {  	v43 =	vor.u32 v18, v45;
	v38 =	vld.idx.msk [tilespmem:v38+s26+$0x0], $0xffff  }
0x6e: {  	v44 =	vor.u32 v19, v45;
	v39 =	vld.idx.msk [tilespmem:v39+s26+$0x0], $0xffff  }
0x6f: {  	v46 =	vor.u32 v20, v45;
	v40 =	vld.idx.msk [tilespmem:v40+s26+$0x0], $0xffff  }
0x70: {  	v47 =	vor.u32 v21, v45;
	v41 =	vld.idx.msk [tilespmem:v41+s26+$0x0], $0xffff  }
0x71: {  	v48 =	vor.u32 v22, v45;
	v42 =	vld.idx.msk [tilespmem:v42+s26+$0x0], $0xffff  }
0x72: {  	v49 =	vor.u32 v23, v45;
	v43 =	vld.idx.msk [tilespmem:v43+s26+$0x0], $0xffff  }
0x73: {  	v45 =	vor.u32 v24, v45;
	v44 =	vld.idx.msk [tilespmem:v44+s26+$0x0], $0xffff  }
0x74: {  	v46 =	vld.idx.msk [tilespmem:v46+s26+$0x0], $0xffff  }
0x75: {  	v47 =	vld.idx.msk [tilespmem:v47+s26+$0x0], $0xffff  }
0x76: {  	v48 =	vld.idx.msk [tilespmem:v48+s26+$0x0], $0xffff  }
0x77: {  	s28 =	simm.s32 $0x10;
	s20 =	sand.u32 $0xFFF0, s26;
	v49 =	vld.idx.msk [tilespmem:v49+s26+$0x0], $0xffff  }
0x78: {  	s29 =	simm.s32 $0x20;
	s21 =	sand.u32 $0x1FFF0, s28;
	v45 =	vld.idx.msk [tilespmem:v45+s26+$0x0], $0xffff;
	[tilespmem:s20+$0x10080] =	vst v25  }
0x79: {  	s31 =	simm.s32 $0x30;
	s30 =	sand.u32 $0x1FFF0, s29;
	[tilespmem:s21+$0x10080] =	vst v26  }
0x7a: {  	s23 =	sand.u32 $0x1FFF0, s31;
	s24 =	simm.s32 $0x40;
	[tilespmem:s30+$0x10080] =	vst v27  }
0x7b: {  	s25 =	sand.u32 $0x1FFF0, s24;
	s26 =	simm.s32 $0x50;
	[tilespmem:s23+$0x10080] =	vst v28  }
0x7c: {  	s29 =	simm.s32 $0x60;
	s28 =	sand.u32 $0x1FFF0, s26;
	[tilespmem:s25+$0x10080] =	vst v29  }
0x7d: {  	s31 =	simm.s32 $0x70;
	s30 =	sand.u32 $0x1FFF0, s29;
	[tilespmem:s28+$0x10080] =	vst v30  }
0x7e: {  	s22 =	sand.u32 $0x1FFF0, s31;
	[tilespmem:s30+$0x10080] =	vst v31  }
0x7f: {  	s23 =	simm.s32 $0x90;
	[tilespmem:s22+$0x10080] =	vst v32  }
0x80: {  	s24 =	simm.s32 $0xA0;
	s21 =	sand.u32 $0x1FFF0, s23;
	[tilespmem:s20+$0x10100] =	vst v33  }
0x81: {  	s26 =	simm.s32 $0xB0;
	s25 =	sand.u32 $0x1FFF0, s24;
	[tilespmem:s21+$0x10080] =	vst v34  }
0x82: {  	s29 =	simm.s32 $0xC0;
	s28 =	sand.u32 $0x1FFF0, s26;
	[tilespmem:s25+$0x10080] =	vst v35  }
0x83: {  	s31 =	simm.s32 $0xD0;
	s30 =	sand.u32 $0x1FFF0, s29;
	[tilespmem:s28+$0x10080] =	vst v36  }
0x84: {  	s23 =	simm.s32 $0xE0;
	s22 =	sand.u32 $0x1FFF0, s31;
	[tilespmem:s30+$0x10080] =	vst v37  }
0x85: {  	s24 =	sand.u32 $0x1FFF0, s23;
	s25 =	simm.s32 $0xF0;
	[tilespmem:s22+$0x10080] =	vst v38  }
0x86: {  	s26 =	sand.u32 $0x1FFF0, s25;
	[tilespmem:s24+$0x10080] =	vst v39  }
0x87: {  	s28 =	simm.s32 $0x110;
	[tilespmem:s26+$0x10080] =	vst v40  }
0x88: {  	s29 =	simm.s32 $0x120;
	s21 =	sand.u32 $0x1FFF0, s28;
	[tilespmem:s20+$0x10180] =	vst v41  }
0x89: {  	s31 =	simm.s32 $0x130;
	s30 =	sand.u32 $0x1FFF0, s29;
	[tilespmem:s21+$0x10080] =	vst v42  }
0x8a: {  	s23 =	simm.s32 $0x140;
	s22 =	sand.u32 $0x1FFF0, s31;
	[tilespmem:s30+$0x10080] =	vst v43  }
0x8b: {  	s25 =	simm.s32 $0x150;
	s24 =	sand.u32 $0x1FFF0, s23;
	[tilespmem:s22+$0x10080] =	vst v44  }
0x8c: {  	s28 =	simm.s32 $0x160;
	s26 =	sand.u32 $0x1FFF0, s25;
	[tilespmem:s24+$0x10080] =	vst v46  }
0x8d: {  	s29 =	sand.u32 $0x1FFF0, s28;
	s30 =	simm.s32 $0x170;
	[tilespmem:s26+$0x10080] =	vst v47  }
0x8e: {  	s31 =	sand.u32 $0x1FFF0, s30;
	[tilespmem:s29+$0x10080] =	vst v48  }
0x8f: {  	s23 =	simm.s32 $0x190;
	[tilespmem:s31+$0x10080] =	vst v49  }
.LBB2_5:
0x90: {  	s24 =	sadd.s32 $0x10, s23  }
0x91: {  	[tilespmem:s20+$0x10200] =	vst v45;
	s20 =	sand.u32 $0xFFF0, s23;
	s22 =	smov.u32 s23;
	s21 =	sadd.s32 $0x190, s23  }
0x92: {  	p0 =	sne.s32 s23, $0x9AB0;
	[tilespmem:s20+$0x10080] =	vst v25;
	s24 =	sand.u32 $0x1FFF0, s24;
	s25 =	sadd.s32 $0x20, s22  }
0x93: {  	[tilespmem:s24+$0x10080] =	vst v26;
	s23 =	sand.u32 $0x1FFF0, s25;
	s24 =	sadd.s32 $0x30, s22  }
0x94: {  	[tilespmem:s23+$0x10080] =	vst v27;
	s23 =	sand.u32 $0x1FFF0, s24;
	s24 =	sadd.s32 $0x40, s22  }
0x95: {  	[tilespmem:s23+$0x10080] =	vst v28;
	s23 =	sand.u32 $0x1FFF0, s24;
	s24 =	sadd.s32 $0x50, s22  }
0x96: {  	[tilespmem:s23+$0x10080] =	vst v29;
	s23 =	sand.u32 $0x1FFF0, s24;
	s24 =	sadd.s32 $0x60, s22  }
0x97: {  	[tilespmem:s23+$0x10080] =	vst v30;
	s23 =	sand.u32 $0x1FFF0, s24;
	s24 =	sadd.s32 $0x70, s22  }
0x98: {  	[tilespmem:s23+$0x10080] =	vst v31;
	s23 =	sand.u32 $0x1FFF0, s24  }
0x99: {  	[tilespmem:s23+$0x10080] =	vst v32;
	s23 =	sadd.s32 $0x90, s22  }
0x9a: {  	s24 =	sadd.s32 $0xA0, s22;
	[tilespmem:s20+$0x10100] =	vst v33;
	s23 =	sand.u32 $0x1FFF0, s23  }
0x9b: {  	[tilespmem:s23+$0x10080] =	vst v34;
	s23 =	sand.u32 $0x1FFF0, s24;
	s24 =	sadd.s32 $0xB0, s22  }
0x9c: {  	[tilespmem:s23+$0x10080] =	vst v35;
	s23 =	sand.u32 $0x1FFF0, s24;
	s24 =	sadd.s32 $0xC0, s22  }
0x9d: {  	[tilespmem:s23+$0x10080] =	vst v36;
	s23 =	sand.u32 $0x1FFF0, s24;
	s24 =	sadd.s32 $0xD0, s22  }
0x9e: {  	[tilespmem:s23+$0x10080] =	vst v37;
	s23 =	sand.u32 $0x1FFF0, s24;
	s24 =	sadd.s32 $0xE0, s22  }
0x9f: {  	[tilespmem:s23+$0x10080] =	vst v38;
	s23 =	sand.u32 $0x1FFF0, s24;
	s24 =	sadd.s32 $0xF0, s22  }
0xa0: {  	[tilespmem:s23+$0x10080] =	vst v39;
	s23 =	sand.u32 $0x1FFF0, s24  }
0xa1: {  	[tilespmem:s23+$0x10080] =	vst v40;
	s23 =	sadd.s32 $0x110, s22  }
0xa2: {  	s24 =	sadd.s32 $0x120, s22;
	[tilespmem:s20+$0x10180] =	vst v41;
	s23 =	sand.u32 $0x1FFF0, s23  }
0xa3: {  	[tilespmem:s23+$0x10080] =	vst v42;
	s23 =	sand.u32 $0x1FFF0, s24;
	s24 =	sadd.s32 $0x130, s22  }
0xa4: {  	[tilespmem:s23+$0x10080] =	vst v43;
	s23 =	sand.u32 $0x1FFF0, s24;
	s24 =	sadd.s32 $0x140, s22  }
.Ltmp1:
0xa5: {  	[tilespmem:s23+$0x10080] =	vst v44;
	s23 =	sand.u32 $0x1FFF0, s24;
	s24 =	sadd.s32 $0x150, s22;
	(pc) =	sbr.rel @p0 .LBB2_5-.Ltmp1, $4  }
0xa6: {  	[tilespmem:s23+$0x10080] =	vst v46;
	s23 =	sand.u32 $0x1FFF0, s24;
	s24 =	sadd.s32 $0x160, s22  }
0xa7: {  	s22 =	sadd.s32 $0x170, s22;
	[tilespmem:s23+$0x10080] =	vst v47;
	s23 =	sand.u32 $0x1FFF0, s24  }
0xa8: {  	s22 =	sand.u32 $0x1FFF0, s22;
	[tilespmem:s23+$0x10080] =	vst v48  }
0xa9: {  	s23 =	smov.u32 s21;
	[tilespmem:s22+$0x10080] =	vst v49  }
0xaa: {  	s17 =	sadd.s32 $0x1, s17  }
0xab: {  	p0 =	sne.s32 s17, $0x10  }
.Ltmp2:
0xac: {  	s18 =	sadd.s32 s8, s18;
	(pc) =	sbr.rel @p0 .LBB2_2-.Ltmp2, $4  }
0xad: {  	s18 =	sor.u32 s19, s18  }
0xae: {  	s18 =	sshrl.u32 s18, $0x3  }
0xaf: {  	[tilespmem:s20+$0x10200] =	vst v45;
	s18 =	sadd.s32 s2, s18  }
0xb0: {  	[hbm4b:s18+s11] =	stream.strided.scatter [tilespmem:s14], [sflag:$0x2], $0x9C80, s12, s11, $0x38;
	[tilespmem:$0x19D00] =	vst v63  }
0xb1: {  	s16 =	sadd.s32 $0x1, s16  }
0xb2: {  	_ =	swait.ge [sflag:s4], $0x9C80;
	p0 =	sne.s32 s16, s9  }
.Ltmp3:
0xb3: {  	[sflag:s4] =	ssyncset.done $0x0;
	(pc) =	sbr.rel @p0 .LBB2_1-.Ltmp3, $4  }
0xb4: {  	[sflag:s4] =	ssyncadd.s32 $0xFFFF6380  }
0xb5: {  	_ =	swait.ge [sflag:s15], $0x9C80  }
0xb6: {  	[sflag:s15] =	ssyncset.done $0x0  }
0xb7: {  	[sflag:s15] =	ssyncadd.s32 $0xFFFF6380  }
0xb8: {  	_ =	sfence.sel $0x180000  }
0xb9: {  	[bflag:$0x0] =	sbarrier.arrive $0xFFFF  }
0xba: {  	p0 =	sne.s32 s0, $0x0;
	_ =	strace $0x90000047  }
0xbb: {  	s0 =	sadd.s32 @!p0 $0x100000, s1;
	[bflag:$0x2] =	sbarrier.arrive $0xFFFF  }
0xbc: {  	[sflag:s0] =	ssyncadd.tile.s32 @!p0 $0x1;
	_ =	shalt  }
.Lfunc_end2:
_tile_overlayer_lowered:
.L_overlay_start_2:
0xbd: {  	(tag) =	ssettag $0x2  }
0xbe: {  	s0 =	rddreg [dreg:$0x0];
	s2 =	stileid.u32  }
0xbf: {  	s1 =	rddreg [dreg:$0x1];
	p0 =	sne.s32 s2, $0x0  }
0xc0: {  	s3 =	rddreg [dreg:$0x2];
	[bflag:$0x3] =	sbarrier.arrive $0xFFFF;
	s2 =	simm.s32 @!p0 $0x1C03  }
0xc1: {  	[timem:s3], [sflag:s2] =	dma.local @!p0 [hbm:s0], s1  }
0xc2: {  	s0 =	simm.s32 @!p0 $0x3  }
0xc3: {  	_ =	swait.ge @!p0 [sflag:s0], s1  }
0xc4: {  	s1 =	ssub.s32 @!p0 $0x0, s1;
	[sflag:s0] =	ssyncset.done @!p0 $0x0  }
0xc5: {  	[sflag:s0] =	ssyncadd.s32 @!p0 s1  }
0xc6: {  	[bflag:$0x3] =	sbarrier.arrive $0xFFFF  }
0xc7: {  	_ =	shalt  }

</sc_bundles>
